<compile_context>
chip_gen: v7x
topology: tpu7x:2x2x1
jax: 0.10.2.dev20260603
libtpu: 0.0.44.dev20260713+nightly
codegen_flags: <defaults>
</compile_context>

<pallas_src>
import functools

import jax
import jax.numpy as jnp
from jax import lax
from jax.experimental import pallas as pl
from jax.experimental.pallas import tpu as pltpu
from jax.experimental.pallas import tpu_sc as plsc

_EP_PAD = 17


def _sc_loss(B, L, E):
    NG = L // 16
    EP = E + _EP_PAD
    n_pairs = float(B * (L * (L - 1)) // 2)
    mesh = plsc.VectorSubcoreMesh(
        core_axis_name="c", subcore_axis_name="s", num_cores=1)

    @functools.partial(
        pl.kernel,
        mesh=mesh,
        out_type=jax.ShapeDtypeStruct((16,), jnp.float32),
        compiler_params=pltpu.CompilerParams(needs_layout_passes=False),
        scratch_types=[
            pltpu.VMEM((L * EP,), jnp.float32),
            pltpu.VMEM((4 * E + L + 16,), jnp.float32),
            pltpu.VMEM((2, L), jnp.float32),
            pltpu.VMEM((16,), jnp.float32),
            pltpu.SMEM((1,), jnp.int32),
            pltpu.SemaphoreType.DMA,
        ],
    )
    def k(enc_hbm, small_hbm, out_hbm,
          enc_v, small_v, a_v, out_v, acc_smem, sem):
        s = lax.axis_index("s")
        cp1 = pltpu.async_copy(enc_hbm.at[s], enc_v, sem)
        cp2 = pltpu.async_copy(small_hbm.at[s], small_v, sem)
        cp1.wait()
        cp2.wait()

        lanes = jnp.arange(16, dtype=jnp.int32)
        zi = jnp.zeros((16,), jnp.int32)
        zf = jnp.zeros((16,), jnp.float32)
        bases = [(lanes + 16 * g_i) * EP for g_i in range(NG)]
        l4 = lanes & 3

        UNR = 2

        def dot_body(i, accs):
            accs = list(accs)
            e0 = i * UNR
            for u in range(UNR):
                e = e0 + u
                ecol = jnp.full((16,), e, dtype=jnp.int32)
                wvec = plsc.load_gather(small_v, [l4 + e * 4])
                w0l = wvec.at[zi].get(mode="promise_in_bounds")
                w1l = wvec.at[zi + 1].get(mode="promise_in_bounds")
                w0r = wvec.at[zi + 2].get(mode="promise_in_bounds")
                w1r = wvec.at[zi + 3].get(mode="promise_in_bounds")
                for g_i in range(NG):
                    a0, a1, c0, c1 = accs[4 * g_i:4 * g_i + 4]
                    g = plsc.load_gather(enc_v, [bases[g_i] + ecol])
                    accs[4 * g_i:4 * g_i + 4] = (
                        a0 + g * w0l, a1 + g * w1l,
                        c0 + g * w0r, c1 + g * w1r)
            return tuple(accs)

        accs = lax.fori_loop(0, E // UNR, dot_body, (zf,) * (4 * NG))

        msum = zf
        for g_i in range(NG):
            msum = msum + small_v[pl.ds(4 * E + 16 * g_i, 16)]
        tl = jnp.sum(msum)
        bv = small_v[pl.ds(4 * E + L, 16)]
        b0 = bv[0]
        b1 = bv[1]
        c_vecs = []
        for g_i in range(NG):
            jj = (lanes + 16 * g_i).astype(jnp.float32)
            valid = jnp.where(jj < tl, 1.0, 0.0)
            a_v[0, pl.ds(16 * g_i, 16)] = accs[4 * g_i + 0] * valid + b0
            a_v[1, pl.ds(16 * g_i, 16)] = accs[4 * g_i + 1] * valid + b1
            c_vecs.append((accs[4 * g_i + 2] * valid,
                           accs[4 * g_i + 3] * valid))

        def make_pair_body(n_chunks):
            def pair_body(j, acc):
                jcol = jnp.full((16,), j, dtype=jnp.int32)
                a0bc = plsc.load_gather(a_v, [zi, jcol])
                a1bc = plsc.load_gather(a_v, [zi + 1, jcol])
                total = acc
                for g_i in range(n_chunks):
                    c0, c1 = c_vecs[g_i]
                    kk = lanes + 16 * g_i
                    x0 = a0bc + c0
                    x1 = a1bc + c1
                    m = jnp.maximum(x0, x1)
                    d = jnp.abs(x0 - x1)
                    z = jnp.exp(-d)
                    w = z / (2.0 + z)
                    w2 = w * w
                    t = w2 * (1.0 / 3.0
                              + w2 * (1.0 / 5.0 + w2 * (1.0 / 7.0)))
                    lse = m + 2.0 * (w + w * t)
                    pick = jnp.where(kk == j - 1, x1, x0)
                    total = total + jnp.where(kk < j, pick - lse, 0.0)
                return total
            return pair_body

        part = zf
        for seg in range(NG):
            part = lax.fori_loop(16 * seg, 16 * (seg + 1),
                                 make_pair_body(seg + 1), part)

        acc_smem[0] = 0
        plsc.subcore_barrier()
        q = (jnp.sum(part) * 256.0).astype(jnp.int32)
        plsc.fetch_and_add(acc_smem.at[0], q, subcore_id=jnp.int32(0))
        plsc.subcore_barrier()

        @pl.when(s == 0)
        def _():
            tot = acc_smem[0].astype(jnp.float32)
            loss = tot * (-1.0 / (256.0 * n_pairs))
            out_v[...] = jnp.full((16,), loss)
            pltpu.sync_copy(out_v, out_hbm)

    return k


def kernel(encoder_output, mask, W, b):
    B, L, E = encoder_output.shape
    wt = jnp.concatenate([W[:, :E], W[:, E:]], axis=0)
    wq = wt.T.reshape(4 * E)
    EP = E + _EP_PAD
    enc_pad = jnp.pad(encoder_output, ((0, 0), (0, 0), (0, EP - E)))
    enc_flat = enc_pad.reshape(B, L * EP)
    bpad = jnp.zeros((16,), W.dtype).at[0:2].set(b)
    small = jnp.concatenate(
        [jnp.broadcast_to(wq, (B, 4 * E)), mask,
         jnp.broadcast_to(bpad, (B, 16))], axis=1)
    out = _sc_loss(B, L, E)(enc_flat, small)
    return out[0]

# --- scband reference (transcript-rebuilt; emitter-appended) ---
"""Pipeline reference for scband-dli-loss-1-6614249636365 (READ-ONLY COPY).

The authoritative reference and input builder live on the scoring server;
editing this copy changes nothing except your own understanding.
"""

import jax, jax.numpy as jnp
import numpy as np

BSZ, SEQ, ENC = 16, 64, 512

def setup_inputs(seed: int = 0):
    key = jax.random.key(seed)
    k1, k2, k3 = jax.random.split(key, 3)
    encoder_output = jax.random.normal(k1, (BSZ, SEQ, ENC), dtype=jnp.float32)
    mask = jnp.ones((BSZ, SEQ), dtype=jnp.float32)
    W = jax.random.normal(k2, (2, ENC * 2), dtype=jnp.float32) * (1.0 / np.sqrt(ENC * 2))
    b = jnp.zeros((2,), dtype=jnp.float32)
    return {"encoder_output": encoder_output, "mask": mask, "W": W, "b": b}

def reference(encoder_output, mask, W, b):
    bsz = encoder_output.shape[0]
    enc_dim = encoder_output.shape[2]
    turn_lengths = jnp.sum(mask, axis=1)
    his_max_len = mask.shape[1]
    if his_max_len == 1:
        return jnp.zeros(())
    # his_turn_states: copy valid turns, zero padding beyond each length
    pos = jnp.arange(his_max_len)
    valid = (pos[None, :] < turn_lengths[:, None]).astype(encoder_output.dtype)
    his = encoder_output[:, :his_max_len, :] * valid[:, :, None]
    # pairwise left/right expansion + concat + linear to 2 logits
    left = jnp.broadcast_to(his[:, :, None, :], (bsz, his_max_len, his_max_len, enc_dim))
    right = jnp.broadcast_to(his[:, None, :, :], (bsz, his_max_len, his_max_len, enc_dim))
    cat = jnp.concatenate([left, right], axis=-1)
    ffn = cat @ W.T + b
    flat = ffn.reshape(bsz * his_max_len, his_max_len, 2)
    # gather (j, k) pairs with k < j; label 1 iff k == j-1
    rows, cols, gts = [], [], []
    for i in range(bsz):
        for j in range(his_max_len):
            if j >= 1:
                for k in range(j):
                    gts.append(1 if k == j - 1 else 0)
                    rows.append(i * his_max_len + j)
                    cols.append(k)
    rows = jnp.asarray(rows, dtype=jnp.int32)
    cols = jnp.asarray(cols, dtype=jnp.int32)
    gt = jnp.asarray(gts, dtype=jnp.int32)
    turns = flat[rows, cols]  # [sing_len, 2]
    logp = jax.nn.log_softmax(turns, axis=-1)
    loss = -jnp.mean(jnp.take_along_axis(logp, gt[:, None], axis=1))
    return loss

if __name__ == "__main__":
    import jax
    _d = setup_inputs()
    print(jax.jit(kernel)(*tuple(_d.values())))

</pallas_src>

<mosaic_0001>
#map = affine_map<(d0, d1) -> (0, 0)>
#map1 = affine_map<(d0, d1) -> (0)>
module attributes {stable_mosaic.version = 14 : i64} {
  func.func @k(%arg0: i32, %arg1: i32, %arg2: memref<16x33856xf32, #tpu.memory_space<hbm>>, %arg3: memref<16x2128xf32, #tpu.memory_space<hbm>>, %arg4: memref<16xf32, #tpu.memory_space<hbm>>, %arg5: memref<33856xf32, #tpu.memory_space<vmem>>, %arg6: memref<2128xf32, #tpu.memory_space<vmem>>, %arg7: memref<2x64xf32, #tpu.memory_space<vmem>>, %arg8: memref<16xf32, #tpu.memory_space<vmem>>, %arg9: memref<1xi32, #tpu.memory_space<smem>>, %arg10: memref<!tpu.dma_semaphore, #tpu.memory_space<semaphore_mem>>) attributes {dimension_semantics = [#tpu.dimension_semantics<core_parallel>, #tpu.dimension_semantics<subcore_parallel>], iteration_bounds = array<i64: 1, 16>, scalar_prefetch = 0 : i64, scratch_operands = 6 : i64, tpu.core_type = #tpu.core_type<sc_vector_subcore>, window_params = [{transform_indices = #map}, {transform_indices = #map}, {transform_indices = #map1}]} {
    %dma_start3A = arith.constant 0 : i32
    %dma_start3A_0 = tpu.memref_slice %arg2[%arg1, %dma_start3A] : memref<16x33856xf32, #tpu.memory_space<hbm>> -> memref<1x33856xf32, #tpu.memory_space<hbm>>
    %dma_start3A_1 = tpu.memref_squeeze %dma_start3A_0 : memref<1x33856xf32, #tpu.memory_space<hbm>> -> memref<33856xf32, #tpu.memory_space<hbm>>
    %dma_start3A_2 = arith.constant 0 : i32
    %dma_start3A_3 = tpu.memref_slice %arg2[%arg1, %dma_start3A_2] : memref<16x33856xf32, #tpu.memory_space<hbm>> -> memref<1x33856xf32, #tpu.memory_space<hbm>>
    %dma_start3A_4 = tpu.memref_squeeze %dma_start3A_3 : memref<1x33856xf32, #tpu.memory_space<hbm>> -> memref<33856xf32, #tpu.memory_space<hbm>>
    tpu.enqueue_dma source(%dma_start3A_4 : memref<33856xf32, #tpu.memory_space<hbm>>) target(%arg5 : memref<33856xf32, #tpu.memory_space<vmem>>) target_semaphore(%arg10 : memref<!tpu.dma_semaphore, #tpu.memory_space<semaphore_mem>>)
    %dma_start3A_5 = arith.constant 0 : i32
    %dma_start3A_6 = tpu.memref_slice %arg3[%arg1, %dma_start3A_5] : memref<16x2128xf32, #tpu.memory_space<hbm>> -> memref<1x2128xf32, #tpu.memory_space<hbm>>
    %dma_start3A_7 = tpu.memref_squeeze %dma_start3A_6 : memref<1x2128xf32, #tpu.memory_space<hbm>> -> memref<2128xf32, #tpu.memory_space<hbm>>
    %dma_start3A_8 = arith.constant 0 : i32
    %dma_start3A_9 = tpu.memref_slice %arg3[%arg1, %dma_start3A_8] : memref<16x2128xf32, #tpu.memory_space<hbm>> -> memref<1x2128xf32, #tpu.memory_space<hbm>>
    %dma_start3A_10 = tpu.memref_squeeze %dma_start3A_9 : memref<1x2128xf32, #tpu.memory_space<hbm>> -> memref<2128xf32, #tpu.memory_space<hbm>>
    tpu.enqueue_dma source(%dma_start3A_10 : memref<2128xf32, #tpu.memory_space<hbm>>) target(%arg6 : memref<2128xf32, #tpu.memory_space<vmem>>) target_semaphore(%arg10 : memref<!tpu.dma_semaphore, #tpu.memory_space<semaphore_mem>>)
    %dma_wait3A = arith.constant 0 : i32
    %dma_wait3A_11 = tpu.memref_slice %arg2[%arg1, %dma_wait3A] : memref<16x33856xf32, #tpu.memory_space<hbm>> -> memref<1x33856xf32, #tpu.memory_space<hbm>>
    %dma_wait3A_12 = tpu.memref_squeeze %dma_wait3A_11 : memref<1x33856xf32, #tpu.memory_space<hbm>> -> memref<33856xf32, #tpu.memory_space<hbm>>
    %dma_wait3A_13 = arith.constant 0 : i32
    %dma_wait3A_14 = tpu.memref_slice %arg2[%arg1, %dma_wait3A_13] : memref<16x33856xf32, #tpu.memory_space<hbm>> -> memref<1x33856xf32, #tpu.memory_space<hbm>>
    %dma_wait3A_15 = tpu.memref_squeeze %dma_wait3A_14 : memref<1x33856xf32, #tpu.memory_space<hbm>> -> memref<33856xf32, #tpu.memory_space<hbm>>
    tpu.wait_dma2 semaphore(%arg10 : memref<!tpu.dma_semaphore, #tpu.memory_space<semaphore_mem>>) src(%dma_wait3A_15 : memref<33856xf32, #tpu.memory_space<hbm>>) dst(%arg5 : memref<33856xf32, #tpu.memory_space<vmem>>)
    %dma_wait3A_16 = arith.constant 0 : i32
    %dma_wait3A_17 = tpu.memref_slice %arg3[%arg1, %dma_wait3A_16] : memref<16x2128xf32, #tpu.memory_space<hbm>> -> memref<1x2128xf32, #tpu.memory_space<hbm>>
    %dma_wait3A_18 = tpu.memref_squeeze %dma_wait3A_17 : memref<1x2128xf32, #tpu.memory_space<hbm>> -> memref<2128xf32, #tpu.memory_space<hbm>>
    %dma_wait3A_19 = arith.constant 0 : i32
    %dma_wait3A_20 = tpu.memref_slice %arg3[%arg1, %dma_wait3A_19] : memref<16x2128xf32, #tpu.memory_space<hbm>> -> memref<1x2128xf32, #tpu.memory_space<hbm>>
    %dma_wait3A_21 = tpu.memref_squeeze %dma_wait3A_20 : memref<1x2128xf32, #tpu.memory_space<hbm>> -> memref<2128xf32, #tpu.memory_space<hbm>>
    tpu.wait_dma2 semaphore(%arg10 : memref<!tpu.dma_semaphore, #tpu.memory_space<semaphore_mem>>) src(%dma_wait3A_21 : memref<2128xf32, #tpu.memory_space<hbm>>) dst(%arg6 : memref<2128xf32, #tpu.memory_space<vmem>>)
    %iota3A = tpu.iota {dimensions = array<i32: 0>} : vector<16xi32>
    %broadcast_in_dim3A = arith.constant 0 : i32
    %broadcast_in_dim3A_22 = vector.broadcast %broadcast_in_dim3A : i32 to vector<16xi32>
    %broadcast_in_dim3A_23 = arith.constant 0.000000e+00 : f32
    %broadcast_in_dim3A_24 = vector.broadcast %broadcast_in_dim3A_23 : f32 to vector<16xf32>
    %add3A = arith.constant 0 : i32
    %add3A_25 = vector.broadcast %add3A : i32 to vector<16xi32>
    %add3A_26 = arith.addi %iota3A, %add3A_25 : vector<16xi32>
    %mul3A = arith.constant 529 : i32
    %mul3A_27 = vector.broadcast %mul3A : i32 to vector<16xi32>
    %mul3A_28 = arith.muli %add3A_26, %mul3A_27 : vector<16xi32>
    %add3A_29 = arith.constant 16 : i32
    %add3A_30 = vector.broadcast %add3A_29 : i32 to vector<16xi32>
    %add3A_31 = arith.addi %iota3A, %add3A_30 : vector<16xi32>
    %mul3A_32 = arith.constant 529 : i32
    %mul3A_33 = vector.broadcast %mul3A_32 : i32 to vector<16xi32>
    %mul3A_34 = arith.muli %add3A_31, %mul3A_33 : vector<16xi32>
    %add3A_35 = arith.constant 32 : i32
    %add3A_36 = vector.broadcast %add3A_35 : i32 to vector<16xi32>
    %add3A_37 = arith.addi %iota3A, %add3A_36 : vector<16xi32>
    %mul3A_38 = arith.constant 529 : i32
    %mul3A_39 = vector.broadcast %mul3A_38 : i32 to vector<16xi32>
    %mul3A_40 = arith.muli %add3A_37, %mul3A_39 : vector<16xi32>
    %add3A_41 = arith.constant 48 : i32
    %add3A_42 = vector.broadcast %add3A_41 : i32 to vector<16xi32>
    %add3A_43 = arith.addi %iota3A, %add3A_42 : vector<16xi32>
    %mul3A_44 = arith.constant 529 : i32
    %mul3A_45 = vector.broadcast %mul3A_44 : i32 to vector<16xi32>
    %mul3A_46 = arith.muli %add3A_43, %mul3A_45 : vector<16xi32>
    %and3A = arith.constant 3 : i32
    %and3A_47 = vector.broadcast %and3A : i32 to vector<16xi32>
    %and3A_48 = arith.andi %iota3A, %and3A_47 : vector<16xi32>
    %scan3A = arith.constant 0 : i32
    %scan3A_49 = arith.constant 256 : i32
    %scan3A_50 = arith.addi %scan3A, %scan3A_49 : i32
    %scan3A_51 = arith.constant 1 : i32
    %scan3A_52:16 = scf.for %scan3A_216 = %scan3A to %scan3A_50 step %scan3A_51 iter_args(%scan3A_217 = %broadcast_in_dim3A_24, %scan3A_218 = %broadcast_in_dim3A_24, %scan3A_219 = %broadcast_in_dim3A_24, %scan3A_220 = %broadcast_in_dim3A_24, %scan3A_221 = %broadcast_in_dim3A_24, %scan3A_222 = %broadcast_in_dim3A_24, %scan3A_223 = %broadcast_in_dim3A_24, %scan3A_224 = %broadcast_in_dim3A_24, %scan3A_225 = %broadcast_in_dim3A_24, %scan3A_226 = %broadcast_in_dim3A_24, %scan3A_227 = %broadcast_in_dim3A_24, %scan3A_228 = %broadcast_in_dim3A_24, %scan3A_229 = %broadcast_in_dim3A_24, %scan3A_230 = %broadcast_in_dim3A_24, %scan3A_231 = %broadcast_in_dim3A_24, %scan3A_232 = %broadcast_in_dim3A_24) -> (vector<16xf32>, vector<16xf32>, vector<16xf32>, vector<16xf32>, vector<16xf32>, vector<16xf32>, vector<16xf32>, vector<16xf32>, vector<16xf32>, vector<16xf32>, vector<16xf32>, vector<16xf32>, vector<16xf32>, vector<16xf32>, vector<16xf32>, vector<16xf32>)  : i32 {
      %mul3A_233 = arith.constant 2 : i32
      %mul3A_234 = arith.muli %scan3A_216, %mul3A_233 : i32
      %add3A_235 = arith.constant 0 : i32
      %add3A_236 = arith.addi %mul3A_234, %add3A_235 : i32
      %broadcast_in_dim3A_237 = vector.broadcast %add3A_236 : i32 to vector<16xi32>
      %mul3A_238 = arith.constant 4 : i32
      %mul3A_239 = arith.muli %add3A_236, %mul3A_238 : i32
      %add3A_240 = vector.broadcast %mul3A_239 : i32 to vector<16xi32>
      %add3A_241 = arith.addi %and3A_48, %add3A_240 : vector<16xi32>
      %gather3A = tpu.vector_load_idx %arg6[%add3A_241] : memref<2128xf32, #tpu.memory_space<vmem>>[vector<16xi32>], vector<16xf32>,
      %lt3A_242 = arith.constant 0 : i32
      %lt3A_243 = vector.broadcast %lt3A_242 : i32 to vector<16xi32>
      %lt3A_244 = arith.cmpi slt, %broadcast_in_dim3A_22, %lt3A_243 : vector<16xi32>
      %add3A_245 = arith.constant 16 : i32
      %add3A_246 = vector.broadcast %add3A_245 : i32 to vector<16xi32>
      %add3A_247 = arith.addi %broadcast_in_dim3A_22, %add3A_246 : vector<16xi32>
      %select_n3A_248 = arith.select %lt3A_244, %add3A_247, %broadcast_in_dim3A_22 : vector<16xi1>, vector<16xi32>
      %broadcast_in_dim3A_249 = vector.shape_cast %select_n3A_248 : vector<16xi32> to vector<16x1xi32>
      %gather3A_250 = vector.shape_cast %broadcast_in_dim3A_249 : vector<16x1xi32> to vector<16xi32>
      %gather3A_251 = tpu.dynamic_gather %gather3A[%gather3A_250] in [0] : vector<16xf32>, vector<16xi32> -> vector<16xf32>
      %add3A_252 = arith.constant 1 : i32
      %add3A_253 = vector.broadcast %add3A_252 : i32 to vector<16xi32>
      %add3A_254 = arith.addi %broadcast_in_dim3A_22, %add3A_253 : vector<16xi32>
      %lt3A_255 = arith.constant 0 : i32
      %lt3A_256 = vector.broadcast %lt3A_255 : i32 to vector<16xi32>
      %lt3A_257 = arith.cmpi slt, %add3A_254, %lt3A_256 : vector<16xi32>
      %add3A_258 = arith.constant 16 : i32
      %add3A_259 = vector.broadcast %add3A_258 : i32 to vector<16xi32>
      %add3A_260 = arith.addi %add3A_254, %add3A_259 : vector<16xi32>
      %select_n3A_261 = arith.select %lt3A_257, %add3A_260, %add3A_254 : vector<16xi1>, vector<16xi32>
      %broadcast_in_dim3A_262 = vector.shape_cast %select_n3A_261 : vector<16xi32> to vector<16x1xi32>
      %gather3A_263 = vector.shape_cast %broadcast_in_dim3A_262 : vector<16x1xi32> to vector<16xi32>
      %gather3A_264 = tpu.dynamic_gather %gather3A[%gather3A_263] in [0] : vector<16xf32>, vector<16xi32> -> vector<16xf32>
      %add3A_265 = arith.constant 2 : i32
      %add3A_266 = vector.broadcast %add3A_265 : i32 to vector<16xi32>
      %add3A_267 = arith.addi %broadcast_in_dim3A_22, %add3A_266 : vector<16xi32>
      %lt3A_268 = arith.constant 0 : i32
      %lt3A_269 = vector.broadcast %lt3A_268 : i32 to vector<16xi32>
      %lt3A_270 = arith.cmpi slt, %add3A_267, %lt3A_269 : vector<16xi32>
      %add3A_271 = arith.constant 16 : i32
      %add3A_272 = vector.broadcast %add3A_271 : i32 to vector<16xi32>
      %add3A_273 = arith.addi %add3A_267, %add3A_272 : vector<16xi32>
      %select_n3A_274 = arith.select %lt3A_270, %add3A_273, %add3A_267 : vector<16xi1>, vector<16xi32>
      %broadcast_in_dim3A_275 = vector.shape_cast %select_n3A_274 : vector<16xi32> to vector<16x1xi32>
      %gather3A_276 = vector.shape_cast %broadcast_in_dim3A_275 : vector<16x1xi32> to vector<16xi32>
      %gather3A_277 = tpu.dynamic_gather %gather3A[%gather3A_276] in [0] : vector<16xf32>, vector<16xi32> -> vector<16xf32>
      %add3A_278 = arith.constant 3 : i32
      %add3A_279 = vector.broadcast %add3A_278 : i32 to vector<16xi32>
      %add3A_280 = arith.addi %broadcast_in_dim3A_22, %add3A_279 : vector<16xi32>
      %lt3A_281 = arith.constant 0 : i32
      %lt3A_282 = vector.broadcast %lt3A_281 : i32 to vector<16xi32>
      %lt3A_283 = arith.cmpi slt, %add3A_280, %lt3A_282 : vector<16xi32>
      %add3A_284 = arith.constant 16 : i32
      %add3A_285 = vector.broadcast %add3A_284 : i32 to vector<16xi32>
      %add3A_286 = arith.addi %add3A_280, %add3A_285 : vector<16xi32>
      %select_n3A_287 = arith.select %lt3A_283, %add3A_286, %add3A_280 : vector<16xi1>, vector<16xi32>
      %broadcast_in_dim3A_288 = vector.shape_cast %select_n3A_287 : vector<16xi32> to vector<16x1xi32>
      %gather3A_289 = vector.shape_cast %broadcast_in_dim3A_288 : vector<16x1xi32> to vector<16xi32>
      %gather3A_290 = tpu.dynamic_gather %gather3A[%gather3A_289] in [0] : vector<16xf32>, vector<16xi32> -> vector<16xf32>
      %add3A_291 = arith.addi %mul3A_28, %broadcast_in_dim3A_237 : vector<16xi32>
      %gather3A_292 = tpu.vector_load_idx %arg5[%add3A_291] : memref<33856xf32, #tpu.memory_space<vmem>>[vector<16xi32>], vector<16xf32>,
      %mul3A_293 = arith.mulf %gather3A_292, %gather3A_251 : vector<16xf32>
      %add3A_294 = arith.addf %scan3A_217, %mul3A_293 : vector<16xf32>
      %mul3A_295 = arith.mulf %gather3A_292, %gather3A_264 : vector<16xf32>
      %add3A_296 = arith.addf %scan3A_218, %mul3A_295 : vector<16xf32>
      %mul3A_297 = arith.mulf %gather3A_292, %gather3A_277 : vector<16xf32>
      %add3A_298 = arith.addf %scan3A_219, %mul3A_297 : vector<16xf32>
      %mul3A_299 = arith.mulf %gather3A_292, %gather3A_290 : vector<16xf32>
      %add3A_300 = arith.addf %scan3A_220, %mul3A_299 : vector<16xf32>
      %add3A_301 = arith.addi %mul3A_34, %broadcast_in_dim3A_237 : vector<16xi32>
      %gather3A_302 = tpu.vector_load_idx %arg5[%add3A_301] : memref<33856xf32, #tpu.memory_space<vmem>>[vector<16xi32>], vector<16xf32>,
      %mul3A_303 = arith.mulf %gather3A_302, %gather3A_251 : vector<16xf32>
      %add3A_304 = arith.addf %scan3A_221, %mul3A_303 : vector<16xf32>
      %mul3A_305 = arith.mulf %gather3A_302, %gather3A_264 : vector<16xf32>
      %add3A_306 = arith.addf %scan3A_222, %mul3A_305 : vector<16xf32>
      %mul3A_307 = arith.mulf %gather3A_302, %gather3A_277 : vector<16xf32>
      %add3A_308 = arith.addf %scan3A_223, %mul3A_307 : vector<16xf32>
      %mul3A_309 = arith.mulf %gather3A_302, %gather3A_290 : vector<16xf32>
      %add3A_310 = arith.addf %scan3A_224, %mul3A_309 : vector<16xf32>
      %add3A_311 = arith.addi %mul3A_40, %broadcast_in_dim3A_237 : vector<16xi32>
      %gather3A_312 = tpu.vector_load_idx %arg5[%add3A_311] : memref<33856xf32, #tpu.memory_space<vmem>>[vector<16xi32>], vector<16xf32>,
      %mul3A_313 = arith.mulf %gather3A_312, %gather3A_251 : vector<16xf32>
      %add3A_314 = arith.addf %scan3A_225, %mul3A_313 : vector<16xf32>
      %mul3A_315 = arith.mulf %gather3A_312, %gather3A_264 : vector<16xf32>
      %add3A_316 = arith.addf %scan3A_226, %mul3A_315 : vector<16xf32>
      %mul3A_317 = arith.mulf %gather3A_312, %gather3A_277 : vector<16xf32>
      %add3A_318 = arith.addf %scan3A_227, %mul3A_317 : vector<16xf32>
      %mul3A_319 = arith.mulf %gather3A_312, %gather3A_290 : vector<16xf32>
      %add3A_320 = arith.addf %scan3A_228, %mul3A_319 : vector<16xf32>
      %add3A_321 = arith.addi %mul3A_46, %broadcast_in_dim3A_237 : vector<16xi32>
      %gather3A_322 = tpu.vector_load_idx %arg5[%add3A_321] : memref<33856xf32, #tpu.memory_space<vmem>>[vector<16xi32>], vector<16xf32>,
      %mul3A_323 = arith.mulf %gather3A_322, %gather3A_251 : vector<16xf32>
      %add3A_324 = arith.addf %scan3A_229, %mul3A_323 : vector<16xf32>
      %mul3A_325 = arith.mulf %gather3A_322, %gather3A_264 : vector<16xf32>
      %add3A_326 = arith.addf %scan3A_230, %mul3A_325 : vector<16xf32>
      %mul3A_327 = arith.mulf %gather3A_322, %gather3A_277 : vector<16xf32>
      %add3A_328 = arith.addf %scan3A_231, %mul3A_327 : vector<16xf32>
      %mul3A_329 = arith.mulf %gather3A_322, %gather3A_290 : vector<16xf32>
      %add3A_330 = arith.addf %scan3A_232, %mul3A_329 : vector<16xf32>
      %add3A_331 = arith.constant 1 : i32
      %add3A_332 = arith.addi %mul3A_234, %add3A_331 : i32
      %broadcast_in_dim3A_333 = vector.broadcast %add3A_332 : i32 to vector<16xi32>
      %mul3A_334 = arith.constant 4 : i32
      %mul3A_335 = arith.muli %add3A_332, %mul3A_334 : i32
      %add3A_336 = vector.broadcast %mul3A_335 : i32 to vector<16xi32>
      %add3A_337 = arith.addi %and3A_48, %add3A_336 : vector<16xi32>
      %gather3A_338 = tpu.vector_load_idx %arg6[%add3A_337] : memref<2128xf32, #tpu.memory_space<vmem>>[vector<16xi32>], vector<16xf32>,
      %lt3A_339 = arith.constant 0 : i32
      %lt3A_340 = vector.broadcast %lt3A_339 : i32 to vector<16xi32>
      %lt3A_341 = arith.cmpi slt, %broadcast_in_dim3A_22, %lt3A_340 : vector<16xi32>
      %add3A_342 = arith.constant 16 : i32
      %add3A_343 = vector.broadcast %add3A_342 : i32 to vector<16xi32>
      %add3A_344 = arith.addi %broadcast_in_dim3A_22, %add3A_343 : vector<16xi32>
      %select_n3A_345 = arith.select %lt3A_341, %add3A_344, %broadcast_in_dim3A_22 : vector<16xi1>, vector<16xi32>
      %broadcast_in_dim3A_346 = vector.shape_cast %select_n3A_345 : vector<16xi32> to vector<16x1xi32>
      %gather3A_347 = vector.shape_cast %broadcast_in_dim3A_346 : vector<16x1xi32> to vector<16xi32>
      %gather3A_348 = tpu.dynamic_gather %gather3A_338[%gather3A_347] in [0] : vector<16xf32>, vector<16xi32> -> vector<16xf32>
      %add3A_349 = arith.constant 1 : i32
      %add3A_350 = vector.broadcast %add3A_349 : i32 to vector<16xi32>
      %add3A_351 = arith.addi %broadcast_in_dim3A_22, %add3A_350 : vector<16xi32>
      %lt3A_352 = arith.constant 0 : i32
      %lt3A_353 = vector.broadcast %lt3A_352 : i32 to vector<16xi32>
      %lt3A_354 = arith.cmpi slt, %add3A_351, %lt3A_353 : vector<16xi32>
      %add3A_355 = arith.constant 16 : i32
      %add3A_356 = vector.broadcast %add3A_355 : i32 to vector<16xi32>
      %add3A_357 = arith.addi %add3A_351, %add3A_356 : vector<16xi32>
      %select_n3A_358 = arith.select %lt3A_354, %add3A_357, %add3A_351 : vector<16xi1>, vector<16xi32>
      %broadcast_in_dim3A_359 = vector.shape_cast %select_n3A_358 : vector<16xi32> to vector<16x1xi32>
      %gather3A_360 = vector.shape_cast %broadcast_in_dim3A_359 : vector<16x1xi32> to vector<16xi32>
      %gather3A_361 = tpu.dynamic_gather %gather3A_338[%gather3A_360] in [0] : vector<16xf32>, vector<16xi32> -> vector<16xf32>
      %add3A_362 = arith.constant 2 : i32
      %add3A_363 = vector.broadcast %add3A_362 : i32 to vector<16xi32>
      %add3A_364 = arith.addi %broadcast_in_dim3A_22, %add3A_363 : vector<16xi32>
      %lt3A_365 = arith.constant 0 : i32
      %lt3A_366 = vector.broadcast %lt3A_365 : i32 to vector<16xi32>
      %lt3A_367 = arith.cmpi slt, %add3A_364, %lt3A_366 : vector<16xi32>
      %add3A_368 = arith.constant 16 : i32
      %add3A_369 = vector.broadcast %add3A_368 : i32 to vector<16xi32>
      %add3A_370 = arith.addi %add3A_364, %add3A_369 : vector<16xi32>
      %select_n3A_371 = arith.select %lt3A_367, %add3A_370, %add3A_364 : vector<16xi1>, vector<16xi32>
      %broadcast_in_dim3A_372 = vector.shape_cast %select_n3A_371 : vector<16xi32> to vector<16x1xi32>
      %gather3A_373 = vector.shape_cast %broadcast_in_dim3A_372 : vector<16x1xi32> to vector<16xi32>
      %gather3A_374 = tpu.dynamic_gather %gather3A_338[%gather3A_373] in [0] : vector<16xf32>, vector<16xi32> -> vector<16xf32>
      %add3A_375 = arith.constant 3 : i32
      %add3A_376 = vector.broadcast %add3A_375 : i32 to vector<16xi32>
      %add3A_377 = arith.addi %broadcast_in_dim3A_22, %add3A_376 : vector<16xi32>
      %lt3A_378 = arith.constant 0 : i32
      %lt3A_379 = vector.broadcast %lt3A_378 : i32 to vector<16xi32>
      %lt3A_380 = arith.cmpi slt, %add3A_377, %lt3A_379 : vector<16xi32>
      %add3A_381 = arith.constant 16 : i32
      %add3A_382 = vector.broadcast %add3A_381 : i32 to vector<16xi32>
      %add3A_383 = arith.addi %add3A_377, %add3A_382 : vector<16xi32>
      %select_n3A_384 = arith.select %lt3A_380, %add3A_383, %add3A_377 : vector<16xi1>, vector<16xi32>
      %broadcast_in_dim3A_385 = vector.shape_cast %select_n3A_384 : vector<16xi32> to vector<16x1xi32>
      %gather3A_386 = vector.shape_cast %broadcast_in_dim3A_385 : vector<16x1xi32> to vector<16xi32>
      %gather3A_387 = tpu.dynamic_gather %gather3A_338[%gather3A_386] in [0] : vector<16xf32>, vector<16xi32> -> vector<16xf32>
      %add3A_388 = arith.addi %mul3A_28, %broadcast_in_dim3A_333 : vector<16xi32>
      %gather3A_389 = tpu.vector_load_idx %arg5[%add3A_388] : memref<33856xf32, #tpu.memory_space<vmem>>[vector<16xi32>], vector<16xf32>,
      %mul3A_390 = arith.mulf %gather3A_389, %gather3A_348 : vector<16xf32>
      %add3A_391 = arith.addf %add3A_294, %mul3A_390 : vector<16xf32>
      %mul3A_392 = arith.mulf %gather3A_389, %gather3A_361 : vector<16xf32>
      %add3A_393 = arith.addf %add3A_296, %mul3A_392 : vector<16xf32>
      %mul3A_394 = arith.mulf %gather3A_389, %gather3A_374 : vector<16xf32>
      %add3A_395 = arith.addf %add3A_298, %mul3A_394 : vector<16xf32>
      %mul3A_396 = arith.mulf %gather3A_389, %gather3A_387 : vector<16xf32>
      %add3A_397 = arith.addf %add3A_300, %mul3A_396 : vector<16xf32>
      %add3A_398 = arith.addi %mul3A_34, %broadcast_in_dim3A_333 : vector<16xi32>
      %gather3A_399 = tpu.vector_load_idx %arg5[%add3A_398] : memref<33856xf32, #tpu.memory_space<vmem>>[vector<16xi32>], vector<16xf32>,
      %mul3A_400 = arith.mulf %gather3A_399, %gather3A_348 : vector<16xf32>
      %add3A_401 = arith.addf %add3A_304, %mul3A_400 : vector<16xf32>
      %mul3A_402 = arith.mulf %gather3A_399, %gather3A_361 : vector<16xf32>
      %add3A_403 = arith.addf %add3A_306, %mul3A_402 : vector<16xf32>
      %mul3A_404 = arith.mulf %gather3A_399, %gather3A_374 : vector<16xf32>
      %add3A_405 = arith.addf %add3A_308, %mul3A_404 : vector<16xf32>
      %mul3A_406 = arith.mulf %gather3A_399, %gather3A_387 : vector<16xf32>
      %add3A_407 = arith.addf %add3A_310, %mul3A_406 : vector<16xf32>
      %add3A_408 = arith.addi %mul3A_40, %broadcast_in_dim3A_333 : vector<16xi32>
      %gather3A_409 = tpu.vector_load_idx %arg5[%add3A_408] : memref<33856xf32, #tpu.memory_space<vmem>>[vector<16xi32>], vector<16xf32>,
      %mul3A_410 = arith.mulf %gather3A_409, %gather3A_348 : vector<16xf32>
      %add3A_411 = arith.addf %add3A_314, %mul3A_410 : vector<16xf32>
      %mul3A_412 = arith.mulf %gather3A_409, %gather3A_361 : vector<16xf32>
      %add3A_413 = arith.addf %add3A_316, %mul3A_412 : vector<16xf32>
      %mul3A_414 = arith.mulf %gather3A_409, %gather3A_374 : vector<16xf32>
      %add3A_415 = arith.addf %add3A_318, %mul3A_414 : vector<16xf32>
      %mul3A_416 = arith.mulf %gather3A_409, %gather3A_387 : vector<16xf32>
      %add3A_417 = arith.addf %add3A_320, %mul3A_416 : vector<16xf32>
      %add3A_418 = arith.addi %mul3A_46, %broadcast_in_dim3A_333 : vector<16xi32>
      %gather3A_419 = tpu.vector_load_idx %arg5[%add3A_418] : memref<33856xf32, #tpu.memory_space<vmem>>[vector<16xi32>], vector<16xf32>,
      %mul3A_420 = arith.mulf %gather3A_419, %gather3A_348 : vector<16xf32>
      %add3A_421 = arith.addf %add3A_324, %mul3A_420 : vector<16xf32>
      %mul3A_422 = arith.mulf %gather3A_419, %gather3A_361 : vector<16xf32>
      %add3A_423 = arith.addf %add3A_326, %mul3A_422 : vector<16xf32>
      %mul3A_424 = arith.mulf %gather3A_419, %gather3A_374 : vector<16xf32>
      %add3A_425 = arith.addf %add3A_328, %mul3A_424 : vector<16xf32>
      %mul3A_426 = arith.mulf %gather3A_419, %gather3A_387 : vector<16xf32>
      %add3A_427 = arith.addf %add3A_330, %mul3A_426 : vector<16xf32>
      scf.yield %add3A_391, %add3A_393, %add3A_395, %add3A_397, %add3A_401, %add3A_403, %add3A_405, %add3A_407, %add3A_411, %add3A_413, %add3A_415, %add3A_417, %add3A_421, %add3A_423, %add3A_425, %add3A_427 : vector<16xf32>, vector<16xf32>, vector<16xf32>, vector<16xf32>, vector<16xf32>, vector<16xf32>, vector<16xf32>, vector<16xf32>, vector<16xf32>, vector<16xf32>, vector<16xf32>, vector<16xf32>, vector<16xf32>, vector<16xf32>, vector<16xf32>, vector<16xf32>
    }
    %scan3A_53 = arith.constant 256 : i32
    %get3A = arith.constant 2048 : index
    %get3A_54 = tpu.vector_load %arg6[%get3A] {strides = array<i32>} : memref<2128xf32, #tpu.memory_space<vmem>>, vector<16xf32>,
    %add3A_55 = arith.addf %broadcast_in_dim3A_24, %get3A_54 : vector<16xf32>
    %get3A_56 = arith.constant 2064 : index
    %get3A_57 = tpu.vector_load %arg6[%get3A_56] {strides = array<i32>} : memref<2128xf32, #tpu.memory_space<vmem>>, vector<16xf32>,
    %add3A_58 = arith.addf %add3A_55, %get3A_57 : vector<16xf32>
    %get3A_59 = arith.constant 2080 : index
    %get3A_60 = tpu.vector_load %arg6[%get3A_59] {strides = array<i32>} : memref<2128xf32, #tpu.memory_space<vmem>>, vector<16xf32>,
    %add3A_61 = arith.addf %add3A_58, %get3A_60 : vector<16xf32>
    %get3A_62 = arith.constant 2096 : index
    %get3A_63 = tpu.vector_load %arg6[%get3A_62] {strides = array<i32>} : memref<2128xf32, #tpu.memory_space<vmem>>, vector<16xf32>,
    %add3A_64 = arith.addf %add3A_61, %get3A_63 : vector<16xf32>
    %reduce_sum3A = arith.constant true
    %reduce_sum3A_65 = vector.broadcast %reduce_sum3A : i1 to vector<16xi1>
    %reduce_sum3A_66 = tpu.scan <sum>, %add3A_64 masked %reduce_sum3A_65 : vector<16xf32>, vector<16xi1> -> vector<16xf32>
    %reduce_sum3A_67 = vector.extract %reduce_sum3A_66[15] : f32 from vector<16xf32>
    %get3A_68 = arith.constant 2112 : index
    %get3A_69 = tpu.vector_load %arg6[%get3A_68] {strides = array<i32>} : memref<2128xf32, #tpu.memory_space<vmem>>, vector<16xf32>,
    %slice3A = vector.extract_strided_slice %get3A_69 {offsets = [0], sizes = [1], strides = [1]} : vector<16xf32> to vector<1xf32>
    %squeeze3A = vector.extract %slice3A[0] : f32 from vector<1xf32>
    %slice3A_70 = vector.extract_strided_slice %get3A_69 {offsets = [1], sizes = [1], strides = [1]} : vector<16xf32> to vector<1xf32>
    %squeeze3A_71 = vector.extract %slice3A_70[0] : f32 from vector<1xf32>
    %add3A_72 = arith.constant 0 : i32
    %add3A_73 = vector.broadcast %add3A_72 : i32 to vector<16xi32>
    %add3A_74 = arith.addi %iota3A, %add3A_73 : vector<16xi32>
    %convert_element_type3A = arith.sitofp %add3A_74 : vector<16xi32> to vector<16xf32>
    %lt3A = vector.broadcast %reduce_sum3A_67 : f32 to vector<16xf32>
    %lt3A_75 = arith.cmpf olt, %convert_element_type3A, %lt3A : vector<16xf32>
    %jit3A = arith.constant 1.000000e+00 : f32
    %jit3A_76 = arith.constant 0.000000e+00 : f32
    %broadcast_in_dim3A_77 = vector.broadcast %jit3A : f32 to vector<16xf32>
    %broadcast_in_dim3A_78 = vector.broadcast %jit3A_76 : f32 to vector<16xf32>
    %select_n3A = arith.select %lt3A_75, %broadcast_in_dim3A_77, %broadcast_in_dim3A_78 : vector<16xi1>, vector<16xf32>
    %mul3A_79 = arith.mulf %scan3A_52#0, %select_n3A : vector<16xf32>
    %add3A_80 = vector.broadcast %squeeze3A : f32 to vector<16xf32>
    %add3A_81 = arith.addf %mul3A_79, %add3A_80 : vector<16xf32>
    %swap3A = arith.constant 0 : i32
    %swap3A_82 = arith.index_cast %swap3A : i32 to index
    %swap3A_83 = arith.constant 0 : index
    %swap3A_84 = tpu.vector_load %arg7[%swap3A_82, %swap3A_83] {strides = array<i32>} : memref<2x64xf32, #tpu.memory_space<vmem>>, vector<16xf32>,
    tpu.vector_store %arg7[%swap3A_82, %swap3A_83], %add3A_81 {strides = array<i32>} : memref<2x64xf32, #tpu.memory_space<vmem>>, vector<16xf32>,
    %mul3A_85 = arith.mulf %scan3A_52#1, %select_n3A : vector<16xf32>
    %add3A_86 = vector.broadcast %squeeze3A_71 : f32 to vector<16xf32>
    %add3A_87 = arith.addf %mul3A_85, %add3A_86 : vector<16xf32>
    %swap3A_88 = arith.constant 1 : i32
    %swap3A_89 = arith.index_cast %swap3A_88 : i32 to index
    %swap3A_90 = arith.constant 0 : index
    %swap3A_91 = tpu.vector_load %arg7[%swap3A_89, %swap3A_90] {strides = array<i32>} : memref<2x64xf32, #tpu.memory_space<vmem>>, vector<16xf32>,
    tpu.vector_store %arg7[%swap3A_89, %swap3A_90], %add3A_87 {strides = array<i32>} : memref<2x64xf32, #tpu.memory_space<vmem>>, vector<16xf32>,
    %mul3A_92 = arith.mulf %scan3A_52#2, %select_n3A : vector<16xf32>
    %mul3A_93 = arith.mulf %scan3A_52#3, %select_n3A : vector<16xf32>
    %add3A_94 = arith.constant 16 : i32
    %add3A_95 = vector.broadcast %add3A_94 : i32 to vector<16xi32>
    %add3A_96 = arith.addi %iota3A, %add3A_95 : vector<16xi32>
    %convert_element_type3A_97 = arith.sitofp %add3A_96 : vector<16xi32> to vector<16xf32>
    %lt3A_98 = vector.broadcast %reduce_sum3A_67 : f32 to vector<16xf32>
    %lt3A_99 = arith.cmpf olt, %convert_element_type3A_97, %lt3A_98 : vector<16xf32>
    %jit3A_100 = arith.constant 1.000000e+00 : f32
    %jit3A_101 = arith.constant 0.000000e+00 : f32
    %broadcast_in_dim3A_102 = vector.broadcast %jit3A_100 : f32 to vector<16xf32>
    %broadcast_in_dim3A_103 = vector.broadcast %jit3A_101 : f32 to vector<16xf32>
    %select_n3A_104 = arith.select %lt3A_99, %broadcast_in_dim3A_102, %broadcast_in_dim3A_103 : vector<16xi1>, vector<16xf32>
    %mul3A_105 = arith.mulf %scan3A_52#4, %select_n3A_104 : vector<16xf32>
    %add3A_106 = vector.broadcast %squeeze3A : f32 to vector<16xf32>
    %add3A_107 = arith.addf %mul3A_105, %add3A_106 : vector<16xf32>
    %swap3A_108 = arith.constant 0 : i32
    %swap3A_109 = arith.index_cast %swap3A_108 : i32 to index
    %swap3A_110 = arith.constant 16 : index
    %swap3A_111 = tpu.vector_load %arg7[%swap3A_109, %swap3A_110] {strides = array<i32>} : memref<2x64xf32, #tpu.memory_space<vmem>>, vector<16xf32>,
    tpu.vector_store %arg7[%swap3A_109, %swap3A_110], %add3A_107 {strides = array<i32>} : memref<2x64xf32, #tpu.memory_space<vmem>>, vector<16xf32>,
    %mul3A_112 = arith.mulf %scan3A_52#5, %select_n3A_104 : vector<16xf32>
    %add3A_113 = vector.broadcast %squeeze3A_71 : f32 to vector<16xf32>
    %add3A_114 = arith.addf %mul3A_112, %add3A_113 : vector<16xf32>
    %swap3A_115 = arith.constant 1 : i32
    %swap3A_116 = arith.index_cast %swap3A_115 : i32 to index
    %swap3A_117 = arith.constant 16 : index
    %swap3A_118 = tpu.vector_load %arg7[%swap3A_116, %swap3A_117] {strides = array<i32>} : memref<2x64xf32, #tpu.memory_space<vmem>>, vector<16xf32>,
    tpu.vector_store %arg7[%swap3A_116, %swap3A_117], %add3A_114 {strides = array<i32>} : memref<2x64xf32, #tpu.memory_space<vmem>>, vector<16xf32>,
    %mul3A_119 = arith.mulf %scan3A_52#6, %select_n3A_104 : vector<16xf32>
    %mul3A_120 = arith.mulf %scan3A_52#7, %select_n3A_104 : vector<16xf32>
    %add3A_121 = arith.constant 32 : i32
    %add3A_122 = vector.broadcast %add3A_121 : i32 to vector<16xi32>
    %add3A_123 = arith.addi %iota3A, %add3A_122 : vector<16xi32>
    %convert_element_type3A_124 = arith.sitofp %add3A_123 : vector<16xi32> to vector<16xf32>
    %lt3A_125 = vector.broadcast %reduce_sum3A_67 : f32 to vector<16xf32>
    %lt3A_126 = arith.cmpf olt, %convert_element_type3A_124, %lt3A_125 : vector<16xf32>
    %jit3A_127 = arith.constant 1.000000e+00 : f32
    %jit3A_128 = arith.constant 0.000000e+00 : f32
    %broadcast_in_dim3A_129 = vector.broadcast %jit3A_127 : f32 to vector<16xf32>
    %broadcast_in_dim3A_130 = vector.broadcast %jit3A_128 : f32 to vector<16xf32>
    %select_n3A_131 = arith.select %lt3A_126, %broadcast_in_dim3A_129, %broadcast_in_dim3A_130 : vector<16xi1>, vector<16xf32>
    %mul3A_132 = arith.mulf %scan3A_52#8, %select_n3A_131 : vector<16xf32>
    %add3A_133 = vector.broadcast %squeeze3A : f32 to vector<16xf32>
    %add3A_134 = arith.addf %mul3A_132, %add3A_133 : vector<16xf32>
    %swap3A_135 = arith.constant 0 : i32
    %swap3A_136 = arith.index_cast %swap3A_135 : i32 to index
    %swap3A_137 = arith.constant 32 : index
    %swap3A_138 = tpu.vector_load %arg7[%swap3A_136, %swap3A_137] {strides = array<i32>} : memref<2x64xf32, #tpu.memory_space<vmem>>, vector<16xf32>,
    tpu.vector_store %arg7[%swap3A_136, %swap3A_137], %add3A_134 {strides = array<i32>} : memref<2x64xf32, #tpu.memory_space<vmem>>, vector<16xf32>,
    %mul3A_139 = arith.mulf %scan3A_52#9, %select_n3A_131 : vector<16xf32>
    %add3A_140 = vector.broadcast %squeeze3A_71 : f32 to vector<16xf32>
    %add3A_141 = arith.addf %mul3A_139, %add3A_140 : vector<16xf32>
    %swap3A_142 = arith.constant 1 : i32
    %swap3A_143 = arith.index_cast %swap3A_142 : i32 to index
    %swap3A_144 = arith.constant 32 : index
    %swap3A_145 = tpu.vector_load %arg7[%swap3A_143, %swap3A_144] {strides = array<i32>} : memref<2x64xf32, #tpu.memory_space<vmem>>, vector<16xf32>,
    tpu.vector_store %arg7[%swap3A_143, %swap3A_144], %add3A_141 {strides = array<i32>} : memref<2x64xf32, #tpu.memory_space<vmem>>, vector<16xf32>,
    %mul3A_146 = arith.mulf %scan3A_52#10, %select_n3A_131 : vector<16xf32>
    %mul3A_147 = arith.mulf %scan3A_52#11, %select_n3A_131 : vector<16xf32>
    %add3A_148 = arith.constant 48 : i32
    %add3A_149 = vector.broadcast %add3A_148 : i32 to vector<16xi32>
    %add3A_150 = arith.addi %iota3A, %add3A_149 : vector<16xi32>
    %convert_element_type3A_151 = arith.sitofp %add3A_150 : vector<16xi32> to vector<16xf32>
    %lt3A_152 = vector.broadcast %reduce_sum3A_67 : f32 to vector<16xf32>
    %lt3A_153 = arith.cmpf olt, %convert_element_type3A_151, %lt3A_152 : vector<16xf32>
    %jit3A_154 = arith.constant 1.000000e+00 : f32
    %jit3A_155 = arith.constant 0.000000e+00 : f32
    %broadcast_in_dim3A_156 = vector.broadcast %jit3A_154 : f32 to vector<16xf32>
    %broadcast_in_dim3A_157 = vector.broadcast %jit3A_155 : f32 to vector<16xf32>
    %select_n3A_158 = arith.select %lt3A_153, %broadcast_in_dim3A_156, %broadcast_in_dim3A_157 : vector<16xi1>, vector<16xf32>
    %mul3A_159 = arith.mulf %scan3A_52#12, %select_n3A_158 : vector<16xf32>
    %add3A_160 = vector.broadcast %squeeze3A : f32 to vector<16xf32>
    %add3A_161 = arith.addf %mul3A_159, %add3A_160 : vector<16xf32>
    %swap3A_162 = arith.constant 0 : i32
    %swap3A_163 = arith.index_cast %swap3A_162 : i32 to index
    %swap3A_164 = arith.constant 48 : index
    %swap3A_165 = tpu.vector_load %arg7[%swap3A_163, %swap3A_164] {strides = array<i32>} : memref<2x64xf32, #tpu.memory_space<vmem>>, vector<16xf32>,
    tpu.vector_store %arg7[%swap3A_163, %swap3A_164], %add3A_161 {strides = array<i32>} : memref<2x64xf32, #tpu.memory_space<vmem>>, vector<16xf32>,
    %mul3A_166 = arith.mulf %scan3A_52#13, %select_n3A_158 : vector<16xf32>
    %add3A_167 = vector.broadcast %squeeze3A_71 : f32 to vector<16xf32>
    %add3A_168 = arith.addf %mul3A_166, %add3A_167 : vector<16xf32>
    %swap3A_169 = arith.constant 1 : i32
    %swap3A_170 = arith.index_cast %swap3A_169 : i32 to index
    %swap3A_171 = arith.constant 48 : index
    %swap3A_172 = tpu.vector_load %arg7[%swap3A_170, %swap3A_171] {strides = array<i32>} : memref<2x64xf32, #tpu.memory_space<vmem>>, vector<16xf32>,
    tpu.vector_store %arg7[%swap3A_170, %swap3A_171], %add3A_168 {strides = array<i32>} : memref<2x64xf32, #tpu.memory_space<vmem>>, vector<16xf32>,
    %mul3A_173 = arith.mulf %scan3A_52#14, %select_n3A_158 : vector<16xf32>
    %mul3A_174 = arith.mulf %scan3A_52#15, %select_n3A_158 : vector<16xf32>
    %scan3A_175 = arith.constant 0 : i32
    %scan3A_176 = arith.constant 16 : i32
    %scan3A_177 = arith.addi %scan3A_175, %scan3A_176 : i32
    %scan3A_178 = arith.constant 1 : i32
    %scan3A_179 = scf.for %scan3A_216 = %scan3A_175 to %scan3A_177 step %scan3A_178 iter_args(%scan3A_217 = %broadcast_in_dim3A_24) -> (vector<16xf32>)  : i32 {
      %broadcast_in_dim3A_218 = vector.broadcast %scan3A_216 : i32 to vector<16xi32>
      %gather3A = tpu.vector_load_idx %arg7[%broadcast_in_dim3A_22, %broadcast_in_dim3A_218] : memref<2x64xf32, #tpu.memory_space<vmem>>[vector<16xi32>, vector<16xi32>], vector<16xf32>,
      %add3A_219 = arith.constant 1 : i32
      %add3A_220 = vector.broadcast %add3A_219 : i32 to vector<16xi32>
      %add3A_221 = arith.addi %broadcast_in_dim3A_22, %add3A_220 : vector<16xi32>
      %gather3A_222 = tpu.vector_load_idx %arg7[%add3A_221, %broadcast_in_dim3A_218] : memref<2x64xf32, #tpu.memory_space<vmem>>[vector<16xi32>, vector<16xi32>], vector<16xf32>,
      %add3A_223 = arith.constant 0 : i32
      %add3A_224 = vector.broadcast %add3A_223 : i32 to vector<16xi32>
      %add3A_225 = arith.addi %iota3A, %add3A_224 : vector<16xi32>
      %add3A_226 = arith.addf %gather3A, %mul3A_92 : vector<16xf32>
      %add3A_227 = arith.addf %gather3A_222, %mul3A_93 : vector<16xf32>
      %max3A = arith.maximumf %add3A_226, %add3A_227 : vector<16xf32>
      %sub3A = arith.subf %add3A_226, %add3A_227 : vector<16xf32>
      %abs3A = math.absf %sub3A : vector<16xf32>
      %neg3A = arith.constant 0.000000e+00 : f32
      %neg3A_228 = vector.broadcast %neg3A : f32 to vector<16xf32>
      %neg3A_229 = arith.subf %neg3A_228, %abs3A : vector<16xf32>
      %exp3A = math.exp %neg3A_229 : vector<16xf32>
      %add3A_230 = arith.constant 2.000000e+00 : f32
      %add3A_231 = vector.broadcast %add3A_230 : f32 to vector<16xf32>
      %add3A_232 = arith.addf %add3A_231, %exp3A : vector<16xf32>
      %div3A = arith.divf %exp3A, %add3A_232 : vector<16xf32>
      %mul3A_233 = arith.mulf %div3A, %div3A : vector<16xf32>
      %mul3A_234 = arith.constant 0.142857149 : f32
      %mul3A_235 = vector.broadcast %mul3A_234 : f32 to vector<16xf32>
      %mul3A_236 = arith.mulf %mul3A_233, %mul3A_235 : vector<16xf32>
      %add3A_237 = arith.constant 2.000000e-01 : f32
      %add3A_238 = vector.broadcast %add3A_237 : f32 to vector<16xf32>
      %add3A_239 = arith.addf %add3A_238, %mul3A_236 : vector<16xf32>
      %mul3A_240 = arith.mulf %mul3A_233, %add3A_239 : vector<16xf32>
      %add3A_241 = arith.constant 0.333333343 : f32
      %add3A_242 = vector.broadcast %add3A_241 : f32 to vector<16xf32>
      %add3A_243 = arith.addf %add3A_242, %mul3A_240 : vector<16xf32>
      %mul3A_244 = arith.mulf %mul3A_233, %add3A_243 : vector<16xf32>
      %mul3A_245 = arith.mulf %div3A, %mul3A_244 : vector<16xf32>
      %add3A_246 = arith.addf %div3A, %mul3A_245 : vector<16xf32>
      %mul3A_247 = arith.constant 2.000000e+00 : f32
      %mul3A_248 = vector.broadcast %mul3A_247 : f32 to vector<16xf32>
      %mul3A_249 = arith.mulf %mul3A_248, %add3A_246 : vector<16xf32>
      %add3A_250 = arith.addf %max3A, %mul3A_249 : vector<16xf32>
      %sub3A_251 = arith.constant 1 : i32
      %sub3A_252 = arith.subi %scan3A_216, %sub3A_251 : i32
      %eq3A_253 = vector.broadcast %sub3A_252 : i32 to vector<16xi32>
      %eq3A_254 = arith.cmpi eq, %add3A_225, %eq3A_253 : vector<16xi32>
      %select_n3A_255 = arith.select %eq3A_254, %add3A_227, %add3A_226 : vector<16xi1>, vector<16xf32>
      %lt3A_256 = vector.broadcast %scan3A_216 : i32 to vector<16xi32>
      %lt3A_257 = arith.cmpi slt, %add3A_225, %lt3A_256 : vector<16xi32>
      %sub3A_258 = arith.subf %select_n3A_255, %add3A_250 : vector<16xf32>
      %jit3A_259 = arith.constant 0.000000e+00 : f32
      %broadcast_in_dim3A_260 = vector.broadcast %jit3A_259 : f32 to vector<16xf32>
      %select_n3A_261 = arith.select %lt3A_257, %sub3A_258, %broadcast_in_dim3A_260 : vector<16xi1>, vector<16xf32>
      %add3A_262 = arith.addf %scan3A_217, %select_n3A_261 : vector<16xf32>
      scf.yield %add3A_262 : vector<16xf32>
    }
    %scan3A_180 = arith.constant 16 : i32
    %scan3A_181 = arith.constant 16 : i32
    %scan3A_182 = arith.constant 16 : i32
    %scan3A_183 = arith.addi %scan3A_181, %scan3A_182 : i32
    %scan3A_184 = arith.constant 1 : i32
    %scan3A_185 = scf.for %scan3A_216 = %scan3A_181 to %scan3A_183 step %scan3A_184 iter_args(%scan3A_217 = %scan3A_179) -> (vector<16xf32>)  : i32 {
      %broadcast_in_dim3A_218 = vector.broadcast %scan3A_216 : i32 to vector<16xi32>
      %gather3A = tpu.vector_load_idx %arg7[%broadcast_in_dim3A_22, %broadcast_in_dim3A_218] : memref<2x64xf32, #tpu.memory_space<vmem>>[vector<16xi32>, vector<16xi32>], vector<16xf32>,
      %add3A_219 = arith.constant 1 : i32
      %add3A_220 = vector.broadcast %add3A_219 : i32 to vector<16xi32>
      %add3A_221 = arith.addi %broadcast_in_dim3A_22, %add3A_220 : vector<16xi32>
      %gather3A_222 = tpu.vector_load_idx %arg7[%add3A_221, %broadcast_in_dim3A_218] : memref<2x64xf32, #tpu.memory_space<vmem>>[vector<16xi32>, vector<16xi32>], vector<16xf32>,
      %add3A_223 = arith.constant 0 : i32
      %add3A_224 = vector.broadcast %add3A_223 : i32 to vector<16xi32>
      %add3A_225 = arith.addi %iota3A, %add3A_224 : vector<16xi32>
      %add3A_226 = arith.addf %gather3A, %mul3A_92 : vector<16xf32>
      %add3A_227 = arith.addf %gather3A_222, %mul3A_93 : vector<16xf32>
      %max3A = arith.maximumf %add3A_226, %add3A_227 : vector<16xf32>
      %sub3A = arith.subf %add3A_226, %add3A_227 : vector<16xf32>
      %abs3A = math.absf %sub3A : vector<16xf32>
      %neg3A = arith.constant 0.000000e+00 : f32
      %neg3A_228 = vector.broadcast %neg3A : f32 to vector<16xf32>
      %neg3A_229 = arith.subf %neg3A_228, %abs3A : vector<16xf32>
      %exp3A = math.exp %neg3A_229 : vector<16xf32>
      %add3A_230 = arith.constant 2.000000e+00 : f32
      %add3A_231 = vector.broadcast %add3A_230 : f32 to vector<16xf32>
      %add3A_232 = arith.addf %add3A_231, %exp3A : vector<16xf32>
      %div3A = arith.divf %exp3A, %add3A_232 : vector<16xf32>
      %mul3A_233 = arith.mulf %div3A, %div3A : vector<16xf32>
      %mul3A_234 = arith.constant 0.142857149 : f32
      %mul3A_235 = vector.broadcast %mul3A_234 : f32 to vector<16xf32>
      %mul3A_236 = arith.mulf %mul3A_233, %mul3A_235 : vector<16xf32>
      %add3A_237 = arith.constant 2.000000e-01 : f32
      %add3A_238 = vector.broadcast %add3A_237 : f32 to vector<16xf32>
      %add3A_239 = arith.addf %add3A_238, %mul3A_236 : vector<16xf32>
      %mul3A_240 = arith.mulf %mul3A_233, %add3A_239 : vector<16xf32>
      %add3A_241 = arith.constant 0.333333343 : f32
      %add3A_242 = vector.broadcast %add3A_241 : f32 to vector<16xf32>
      %add3A_243 = arith.addf %add3A_242, %mul3A_240 : vector<16xf32>
      %mul3A_244 = arith.mulf %mul3A_233, %add3A_243 : vector<16xf32>
      %mul3A_245 = arith.mulf %div3A, %mul3A_244 : vector<16xf32>
      %add3A_246 = arith.addf %div3A, %mul3A_245 : vector<16xf32>
      %mul3A_247 = arith.constant 2.000000e+00 : f32
      %mul3A_248 = vector.broadcast %mul3A_247 : f32 to vector<16xf32>
      %mul3A_249 = arith.mulf %mul3A_248, %add3A_246 : vector<16xf32>
      %add3A_250 = arith.addf %max3A, %mul3A_249 : vector<16xf32>
      %sub3A_251 = arith.constant 1 : i32
      %sub3A_252 = arith.subi %scan3A_216, %sub3A_251 : i32
      %eq3A_253 = vector.broadcast %sub3A_252 : i32 to vector<16xi32>
      %eq3A_254 = arith.cmpi eq, %add3A_225, %eq3A_253 : vector<16xi32>
      %select_n3A_255 = arith.select %eq3A_254, %add3A_227, %add3A_226 : vector<16xi1>, vector<16xf32>
      %lt3A_256 = vector.broadcast %scan3A_216 : i32 to vector<16xi32>
      %lt3A_257 = arith.cmpi slt, %add3A_225, %lt3A_256 : vector<16xi32>
      %sub3A_258 = arith.subf %select_n3A_255, %add3A_250 : vector<16xf32>
      %jit3A_259 = arith.constant 0.000000e+00 : f32
      %broadcast_in_dim3A_260 = vector.broadcast %jit3A_259 : f32 to vector<16xf32>
      %select_n3A_261 = arith.select %lt3A_257, %sub3A_258, %broadcast_in_dim3A_260 : vector<16xi1>, vector<16xf32>
      %add3A_262 = arith.addf %scan3A_217, %select_n3A_261 : vector<16xf32>
      %add3A_263 = arith.constant 16 : i32
      %add3A_264 = vector.broadcast %add3A_263 : i32 to vector<16xi32>
      %add3A_265 = arith.addi %iota3A, %add3A_264 : vector<16xi32>
      %add3A_266 = arith.addf %gather3A, %mul3A_119 : vector<16xf32>
      %add3A_267 = arith.addf %gather3A_222, %mul3A_120 : vector<16xf32>
      %max3A_268 = arith.maximumf %add3A_266, %add3A_267 : vector<16xf32>
      %sub3A_269 = arith.subf %add3A_266, %add3A_267 : vector<16xf32>
      %abs3A_270 = math.absf %sub3A_269 : vector<16xf32>
      %neg3A_271 = arith.constant 0.000000e+00 : f32
      %neg3A_272 = vector.broadcast %neg3A_271 : f32 to vector<16xf32>
      %neg3A_273 = arith.subf %neg3A_272, %abs3A_270 : vector<16xf32>
      %exp3A_274 = math.exp %neg3A_273 : vector<16xf32>
      %add3A_275 = arith.constant 2.000000e+00 : f32
      %add3A_276 = vector.broadcast %add3A_275 : f32 to vector<16xf32>
      %add3A_277 = arith.addf %add3A_276, %exp3A_274 : vector<16xf32>
      %div3A_278 = arith.divf %exp3A_274, %add3A_277 : vector<16xf32>
      %mul3A_279 = arith.mulf %div3A_278, %div3A_278 : vector<16xf32>
      %mul3A_280 = arith.constant 0.142857149 : f32
      %mul3A_281 = vector.broadcast %mul3A_280 : f32 to vector<16xf32>
      %mul3A_282 = arith.mulf %mul3A_279, %mul3A_281 : vector<16xf32>
      %add3A_283 = arith.constant 2.000000e-01 : f32
      %add3A_284 = vector.broadcast %add3A_283 : f32 to vector<16xf32>
      %add3A_285 = arith.addf %add3A_284, %mul3A_282 : vector<16xf32>
      %mul3A_286 = arith.mulf %mul3A_279, %add3A_285 : vector<16xf32>
      %add3A_287 = arith.constant 0.333333343 : f32
      %add3A_288 = vector.broadcast %add3A_287 : f32 to vector<16xf32>
      %add3A_289 = arith.addf %add3A_288, %mul3A_286 : vector<16xf32>
      %mul3A_290 = arith.mulf %mul3A_279, %add3A_289 : vector<16xf32>
      %mul3A_291 = arith.mulf %div3A_278, %mul3A_290 : vector<16xf32>
      %add3A_292 = arith.addf %div3A_278, %mul3A_291 : vector<16xf32>
      %mul3A_293 = arith.constant 2.000000e+00 : f32
      %mul3A_294 = vector.broadcast %mul3A_293 : f32 to vector<16xf32>
      %mul3A_295 = arith.mulf %mul3A_294, %add3A_292 : vector<16xf32>
      %add3A_296 = arith.addf %max3A_268, %mul3A_295 : vector<16xf32>
      %sub3A_297 = arith.constant 1 : i32
      %sub3A_298 = arith.subi %scan3A_216, %sub3A_297 : i32
      %eq3A_299 = vector.broadcast %sub3A_298 : i32 to vector<16xi32>
      %eq3A_300 = arith.cmpi eq, %add3A_265, %eq3A_299 : vector<16xi32>
      %select_n3A_301 = arith.select %eq3A_300, %add3A_267, %add3A_266 : vector<16xi1>, vector<16xf32>
      %lt3A_302 = vector.broadcast %scan3A_216 : i32 to vector<16xi32>
      %lt3A_303 = arith.cmpi slt, %add3A_265, %lt3A_302 : vector<16xi32>
      %sub3A_304 = arith.subf %select_n3A_301, %add3A_296 : vector<16xf32>
      %jit3A_305 = arith.constant 0.000000e+00 : f32
      %broadcast_in_dim3A_306 = vector.broadcast %jit3A_305 : f32 to vector<16xf32>
      %select_n3A_307 = arith.select %lt3A_303, %sub3A_304, %broadcast_in_dim3A_306 : vector<16xi1>, vector<16xf32>
      %add3A_308 = arith.addf %add3A_262, %select_n3A_307 : vector<16xf32>
      scf.yield %add3A_308 : vector<16xf32>
    }
    %scan3A_186 = arith.constant 16 : i32
    %scan3A_187 = arith.constant 32 : i32
    %scan3A_188 = arith.constant 16 : i32
    %scan3A_189 = arith.addi %scan3A_187, %scan3A_188 : i32
    %scan3A_190 = arith.constant 1 : i32
    %scan3A_191 = scf.for %scan3A_216 = %scan3A_187 to %scan3A_189 step %scan3A_190 iter_args(%scan3A_217 = %scan3A_185) -> (vector<16xf32>)  : i32 {
      %broadcast_in_dim3A_218 = vector.broadcast %scan3A_216 : i32 to vector<16xi32>
      %gather3A = tpu.vector_load_idx %arg7[%broadcast_in_dim3A_22, %broadcast_in_dim3A_218] : memref<2x64xf32, #tpu.memory_space<vmem>>[vector<16xi32>, vector<16xi32>], vector<16xf32>,
      %add3A_219 = arith.constant 1 : i32
      %add3A_220 = vector.broadcast %add3A_219 : i32 to vector<16xi32>
      %add3A_221 = arith.addi %broadcast_in_dim3A_22, %add3A_220 : vector<16xi32>
      %gather3A_222 = tpu.vector_load_idx %arg7[%add3A_221, %broadcast_in_dim3A_218] : memref<2x64xf32, #tpu.memory_space<vmem>>[vector<16xi32>, vector<16xi32>], vector<16xf32>,
      %add3A_223 = arith.constant 0 : i32
      %add3A_224 = vector.broadcast %add3A_223 : i32 to vector<16xi32>
      %add3A_225 = arith.addi %iota3A, %add3A_224 : vector<16xi32>
      %add3A_226 = arith.addf %gather3A, %mul3A_92 : vector<16xf32>
      %add3A_227 = arith.addf %gather3A_222, %mul3A_93 : vector<16xf32>
      %max3A = arith.maximumf %add3A_226, %add3A_227 : vector<16xf32>
      %sub3A = arith.subf %add3A_226, %add3A_227 : vector<16xf32>
      %abs3A = math.absf %sub3A : vector<16xf32>
      %neg3A = arith.constant 0.000000e+00 : f32
      %neg3A_228 = vector.broadcast %neg3A : f32 to vector<16xf32>
      %neg3A_229 = arith.subf %neg3A_228, %abs3A : vector<16xf32>
      %exp3A = math.exp %neg3A_229 : vector<16xf32>
      %add3A_230 = arith.constant 2.000000e+00 : f32
      %add3A_231 = vector.broadcast %add3A_230 : f32 to vector<16xf32>
      %add3A_232 = arith.addf %add3A_231, %exp3A : vector<16xf32>
      %div3A = arith.divf %exp3A, %add3A_232 : vector<16xf32>
      %mul3A_233 = arith.mulf %div3A, %div3A : vector<16xf32>
      %mul3A_234 = arith.constant 0.142857149 : f32
      %mul3A_235 = vector.broadcast %mul3A_234 : f32 to vector<16xf32>
      %mul3A_236 = arith.mulf %mul3A_233, %mul3A_235 : vector<16xf32>
      %add3A_237 = arith.constant 2.000000e-01 : f32
      %add3A_238 = vector.broadcast %add3A_237 : f32 to vector<16xf32>
      %add3A_239 = arith.addf %add3A_238, %mul3A_236 : vector<16xf32>
      %mul3A_240 = arith.mulf %mul3A_233, %add3A_239 : vector<16xf32>
      %add3A_241 = arith.constant 0.333333343 : f32
      %add3A_242 = vector.broadcast %add3A_241 : f32 to vector<16xf32>
      %add3A_243 = arith.addf %add3A_242, %mul3A_240 : vector<16xf32>
      %mul3A_244 = arith.mulf %mul3A_233, %add3A_243 : vector<16xf32>
      %mul3A_245 = arith.mulf %div3A, %mul3A_244 : vector<16xf32>
      %add3A_246 = arith.addf %div3A, %mul3A_245 : vector<16xf32>
      %mul3A_247 = arith.constant 2.000000e+00 : f32
      %mul3A_248 = vector.broadcast %mul3A_247 : f32 to vector<16xf32>
      %mul3A_249 = arith.mulf %mul3A_248, %add3A_246 : vector<16xf32>
      %add3A_250 = arith.addf %max3A, %mul3A_249 : vector<16xf32>
      %sub3A_251 = arith.constant 1 : i32
      %sub3A_252 = arith.subi %scan3A_216, %sub3A_251 : i32
      %eq3A_253 = vector.broadcast %sub3A_252 : i32 to vector<16xi32>
      %eq3A_254 = arith.cmpi eq, %add3A_225, %eq3A_253 : vector<16xi32>
      %select_n3A_255 = arith.select %eq3A_254, %add3A_227, %add3A_226 : vector<16xi1>, vector<16xf32>
      %lt3A_256 = vector.broadcast %scan3A_216 : i32 to vector<16xi32>
      %lt3A_257 = arith.cmpi slt, %add3A_225, %lt3A_256 : vector<16xi32>
      %sub3A_258 = arith.subf %select_n3A_255, %add3A_250 : vector<16xf32>
      %jit3A_259 = arith.constant 0.000000e+00 : f32
      %broadcast_in_dim3A_260 = vector.broadcast %jit3A_259 : f32 to vector<16xf32>
      %select_n3A_261 = arith.select %lt3A_257, %sub3A_258, %broadcast_in_dim3A_260 : vector<16xi1>, vector<16xf32>
      %add3A_262 = arith.addf %scan3A_217, %select_n3A_261 : vector<16xf32>
      %add3A_263 = arith.constant 16 : i32
      %add3A_264 = vector.broadcast %add3A_263 : i32 to vector<16xi32>
      %add3A_265 = arith.addi %iota3A, %add3A_264 : vector<16xi32>
      %add3A_266 = arith.addf %gather3A, %mul3A_119 : vector<16xf32>
      %add3A_267 = arith.addf %gather3A_222, %mul3A_120 : vector<16xf32>
      %max3A_268 = arith.maximumf %add3A_266, %add3A_267 : vector<16xf32>
      %sub3A_269 = arith.subf %add3A_266, %add3A_267 : vector<16xf32>
      %abs3A_270 = math.absf %sub3A_269 : vector<16xf32>
      %neg3A_271 = arith.constant 0.000000e+00 : f32
      %neg3A_272 = vector.broadcast %neg3A_271 : f32 to vector<16xf32>
      %neg3A_273 = arith.subf %neg3A_272, %abs3A_270 : vector<16xf32>
      %exp3A_274 = math.exp %neg3A_273 : vector<16xf32>
      %add3A_275 = arith.constant 2.000000e+00 : f32
      %add3A_276 = vector.broadcast %add3A_275 : f32 to vector<16xf32>
      %add3A_277 = arith.addf %add3A_276, %exp3A_274 : vector<16xf32>
      %div3A_278 = arith.divf %exp3A_274, %add3A_277 : vector<16xf32>
      %mul3A_279 = arith.mulf %div3A_278, %div3A_278 : vector<16xf32>
      %mul3A_280 = arith.constant 0.142857149 : f32
      %mul3A_281 = vector.broadcast %mul3A_280 : f32 to vector<16xf32>
      %mul3A_282 = arith.mulf %mul3A_279, %mul3A_281 : vector<16xf32>
      %add3A_283 = arith.constant 2.000000e-01 : f32
      %add3A_284 = vector.broadcast %add3A_283 : f32 to vector<16xf32>
      %add3A_285 = arith.addf %add3A_284, %mul3A_282 : vector<16xf32>
      %mul3A_286 = arith.mulf %mul3A_279, %add3A_285 : vector<16xf32>
      %add3A_287 = arith.constant 0.333333343 : f32
      %add3A_288 = vector.broadcast %add3A_287 : f32 to vector<16xf32>
      %add3A_289 = arith.addf %add3A_288, %mul3A_286 : vector<16xf32>
      %mul3A_290 = arith.mulf %mul3A_279, %add3A_289 : vector<16xf32>
      %mul3A_291 = arith.mulf %div3A_278, %mul3A_290 : vector<16xf32>
      %add3A_292 = arith.addf %div3A_278, %mul3A_291 : vector<16xf32>
      %mul3A_293 = arith.constant 2.000000e+00 : f32
      %mul3A_294 = vector.broadcast %mul3A_293 : f32 to vector<16xf32>
      %mul3A_295 = arith.mulf %mul3A_294, %add3A_292 : vector<16xf32>
      %add3A_296 = arith.addf %max3A_268, %mul3A_295 : vector<16xf32>
      %sub3A_297 = arith.constant 1 : i32
      %sub3A_298 = arith.subi %scan3A_216, %sub3A_297 : i32
      %eq3A_299 = vector.broadcast %sub3A_298 : i32 to vector<16xi32>
      %eq3A_300 = arith.cmpi eq, %add3A_265, %eq3A_299 : vector<16xi32>
      %select_n3A_301 = arith.select %eq3A_300, %add3A_267, %add3A_266 : vector<16xi1>, vector<16xf32>
      %lt3A_302 = vector.broadcast %scan3A_216 : i32 to vector<16xi32>
      %lt3A_303 = arith.cmpi slt, %add3A_265, %lt3A_302 : vector<16xi32>
      %sub3A_304 = arith.subf %select_n3A_301, %add3A_296 : vector<16xf32>
      %jit3A_305 = arith.constant 0.000000e+00 : f32
      %broadcast_in_dim3A_306 = vector.broadcast %jit3A_305 : f32 to vector<16xf32>
      %select_n3A_307 = arith.select %lt3A_303, %sub3A_304, %broadcast_in_dim3A_306 : vector<16xi1>, vector<16xf32>
      %add3A_308 = arith.addf %add3A_262, %select_n3A_307 : vector<16xf32>
      %add3A_309 = arith.constant 32 : i32
      %add3A_310 = vector.broadcast %add3A_309 : i32 to vector<16xi32>
      %add3A_311 = arith.addi %iota3A, %add3A_310 : vector<16xi32>
      %add3A_312 = arith.addf %gather3A, %mul3A_146 : vector<16xf32>
      %add3A_313 = arith.addf %gather3A_222, %mul3A_147 : vector<16xf32>
      %max3A_314 = arith.maximumf %add3A_312, %add3A_313 : vector<16xf32>
      %sub3A_315 = arith.subf %add3A_312, %add3A_313 : vector<16xf32>
      %abs3A_316 = math.absf %sub3A_315 : vector<16xf32>
      %neg3A_317 = arith.constant 0.000000e+00 : f32
      %neg3A_318 = vector.broadcast %neg3A_317 : f32 to vector<16xf32>
      %neg3A_319 = arith.subf %neg3A_318, %abs3A_316 : vector<16xf32>
      %exp3A_320 = math.exp %neg3A_319 : vector<16xf32>
      %add3A_321 = arith.constant 2.000000e+00 : f32
      %add3A_322 = vector.broadcast %add3A_321 : f32 to vector<16xf32>
      %add3A_323 = arith.addf %add3A_322, %exp3A_320 : vector<16xf32>
      %div3A_324 = arith.divf %exp3A_320, %add3A_323 : vector<16xf32>
      %mul3A_325 = arith.mulf %div3A_324, %div3A_324 : vector<16xf32>
      %mul3A_326 = arith.constant 0.142857149 : f32
      %mul3A_327 = vector.broadcast %mul3A_326 : f32 to vector<16xf32>
      %mul3A_328 = arith.mulf %mul3A_325, %mul3A_327 : vector<16xf32>
      %add3A_329 = arith.constant 2.000000e-01 : f32
      %add3A_330 = vector.broadcast %add3A_329 : f32 to vector<16xf32>
      %add3A_331 = arith.addf %add3A_330, %mul3A_328 : vector<16xf32>
      %mul3A_332 = arith.mulf %mul3A_325, %add3A_331 : vector<16xf32>
      %add3A_333 = arith.constant 0.333333343 : f32
      %add3A_334 = vector.broadcast %add3A_333 : f32 to vector<16xf32>
      %add3A_335 = arith.addf %add3A_334, %mul3A_332 : vector<16xf32>
      %mul3A_336 = arith.mulf %mul3A_325, %add3A_335 : vector<16xf32>
      %mul3A_337 = arith.mulf %div3A_324, %mul3A_336 : vector<16xf32>
      %add3A_338 = arith.addf %div3A_324, %mul3A_337 : vector<16xf32>
      %mul3A_339 = arith.constant 2.000000e+00 : f32
      %mul3A_340 = vector.broadcast %mul3A_339 : f32 to vector<16xf32>
      %mul3A_341 = arith.mulf %mul3A_340, %add3A_338 : vector<16xf32>
      %add3A_342 = arith.addf %max3A_314, %mul3A_341 : vector<16xf32>
      %sub3A_343 = arith.constant 1 : i32
      %sub3A_344 = arith.subi %scan3A_216, %sub3A_343 : i32
      %eq3A_345 = vector.broadcast %sub3A_344 : i32 to vector<16xi32>
      %eq3A_346 = arith.cmpi eq, %add3A_311, %eq3A_345 : vector<16xi32>
      %select_n3A_347 = arith.select %eq3A_346, %add3A_313, %add3A_312 : vector<16xi1>, vector<16xf32>
      %lt3A_348 = vector.broadcast %scan3A_216 : i32 to vector<16xi32>
      %lt3A_349 = arith.cmpi slt, %add3A_311, %lt3A_348 : vector<16xi32>
      %sub3A_350 = arith.subf %select_n3A_347, %add3A_342 : vector<16xf32>
      %jit3A_351 = arith.constant 0.000000e+00 : f32
      %broadcast_in_dim3A_352 = vector.broadcast %jit3A_351 : f32 to vector<16xf32>
      %select_n3A_353 = arith.select %lt3A_349, %sub3A_350, %broadcast_in_dim3A_352 : vector<16xi1>, vector<16xf32>
      %add3A_354 = arith.addf %add3A_308, %select_n3A_353 : vector<16xf32>
      scf.yield %add3A_354 : vector<16xf32>
    }
    %scan3A_192 = arith.constant 16 : i32
    %scan3A_193 = arith.constant 48 : i32
    %scan3A_194 = arith.constant 16 : i32
    %scan3A_195 = arith.addi %scan3A_193, %scan3A_194 : i32
    %scan3A_196 = arith.constant 1 : i32
    %scan3A_197 = scf.for %scan3A_216 = %scan3A_193 to %scan3A_195 step %scan3A_196 iter_args(%scan3A_217 = %scan3A_191) -> (vector<16xf32>)  : i32 {
      %broadcast_in_dim3A_218 = vector.broadcast %scan3A_216 : i32 to vector<16xi32>
      %gather3A = tpu.vector_load_idx %arg7[%broadcast_in_dim3A_22, %broadcast_in_dim3A_218] : memref<2x64xf32, #tpu.memory_space<vmem>>[vector<16xi32>, vector<16xi32>], vector<16xf32>,
      %add3A_219 = arith.constant 1 : i32
      %add3A_220 = vector.broadcast %add3A_219 : i32 to vector<16xi32>
      %add3A_221 = arith.addi %broadcast_in_dim3A_22, %add3A_220 : vector<16xi32>
      %gather3A_222 = tpu.vector_load_idx %arg7[%add3A_221, %broadcast_in_dim3A_218] : memref<2x64xf32, #tpu.memory_space<vmem>>[vector<16xi32>, vector<16xi32>], vector<16xf32>,
      %add3A_223 = arith.constant 0 : i32
      %add3A_224 = vector.broadcast %add3A_223 : i32 to vector<16xi32>
      %add3A_225 = arith.addi %iota3A, %add3A_224 : vector<16xi32>
      %add3A_226 = arith.addf %gather3A, %mul3A_92 : vector<16xf32>
      %add3A_227 = arith.addf %gather3A_222, %mul3A_93 : vector<16xf32>
      %max3A = arith.maximumf %add3A_226, %add3A_227 : vector<16xf32>
      %sub3A = arith.subf %add3A_226, %add3A_227 : vector<16xf32>
      %abs3A = math.absf %sub3A : vector<16xf32>
      %neg3A = arith.constant 0.000000e+00 : f32
      %neg3A_228 = vector.broadcast %neg3A : f32 to vector<16xf32>
      %neg3A_229 = arith.subf %neg3A_228, %abs3A : vector<16xf32>
      %exp3A = math.exp %neg3A_229 : vector<16xf32>
      %add3A_230 = arith.constant 2.000000e+00 : f32
      %add3A_231 = vector.broadcast %add3A_230 : f32 to vector<16xf32>
      %add3A_232 = arith.addf %add3A_231, %exp3A : vector<16xf32>
      %div3A = arith.divf %exp3A, %add3A_232 : vector<16xf32>
      %mul3A_233 = arith.mulf %div3A, %div3A : vector<16xf32>
      %mul3A_234 = arith.constant 0.142857149 : f32
      %mul3A_235 = vector.broadcast %mul3A_234 : f32 to vector<16xf32>
      %mul3A_236 = arith.mulf %mul3A_233, %mul3A_235 : vector<16xf32>
      %add3A_237 = arith.constant 2.000000e-01 : f32
      %add3A_238 = vector.broadcast %add3A_237 : f32 to vector<16xf32>
      %add3A_239 = arith.addf %add3A_238, %mul3A_236 : vector<16xf32>
      %mul3A_240 = arith.mulf %mul3A_233, %add3A_239 : vector<16xf32>
      %add3A_241 = arith.constant 0.333333343 : f32
      %add3A_242 = vector.broadcast %add3A_241 : f32 to vector<16xf32>
      %add3A_243 = arith.addf %add3A_242, %mul3A_240 : vector<16xf32>
      %mul3A_244 = arith.mulf %mul3A_233, %add3A_243 : vector<16xf32>
      %mul3A_245 = arith.mulf %div3A, %mul3A_244 : vector<16xf32>
      %add3A_246 = arith.addf %div3A, %mul3A_245 : vector<16xf32>
      %mul3A_247 = arith.constant 2.000000e+00 : f32
      %mul3A_248 = vector.broadcast %mul3A_247 : f32 to vector<16xf32>
      %mul3A_249 = arith.mulf %mul3A_248, %add3A_246 : vector<16xf32>
      %add3A_250 = arith.addf %max3A, %mul3A_249 : vector<16xf32>
      %sub3A_251 = arith.constant 1 : i32
      %sub3A_252 = arith.subi %scan3A_216, %sub3A_251 : i32
      %eq3A_253 = vector.broadcast %sub3A_252 : i32 to vector<16xi32>
      %eq3A_254 = arith.cmpi eq, %add3A_225, %eq3A_253 : vector<16xi32>
      %select_n3A_255 = arith.select %eq3A_254, %add3A_227, %add3A_226 : vector<16xi1>, vector<16xf32>
      %lt3A_256 = vector.broadcast %scan3A_216 : i32 to vector<16xi32>
      %lt3A_257 = arith.cmpi slt, %add3A_225, %lt3A_256 : vector<16xi32>
      %sub3A_258 = arith.subf %select_n3A_255, %add3A_250 : vector<16xf32>
      %jit3A_259 = arith.constant 0.000000e+00 : f32
      %broadcast_in_dim3A_260 = vector.broadcast %jit3A_259 : f32 to vector<16xf32>
      %select_n3A_261 = arith.select %lt3A_257, %sub3A_258, %broadcast_in_dim3A_260 : vector<16xi1>, vector<16xf32>
      %add3A_262 = arith.addf %scan3A_217, %select_n3A_261 : vector<16xf32>
      %add3A_263 = arith.constant 16 : i32
      %add3A_264 = vector.broadcast %add3A_263 : i32 to vector<16xi32>
      %add3A_265 = arith.addi %iota3A, %add3A_264 : vector<16xi32>
      %add3A_266 = arith.addf %gather3A, %mul3A_119 : vector<16xf32>
      %add3A_267 = arith.addf %gather3A_222, %mul3A_120 : vector<16xf32>
      %max3A_268 = arith.maximumf %add3A_266, %add3A_267 : vector<16xf32>
      %sub3A_269 = arith.subf %add3A_266, %add3A_267 : vector<16xf32>
      %abs3A_270 = math.absf %sub3A_269 : vector<16xf32>
      %neg3A_271 = arith.constant 0.000000e+00 : f32
      %neg3A_272 = vector.broadcast %neg3A_271 : f32 to vector<16xf32>
      %neg3A_273 = arith.subf %neg3A_272, %abs3A_270 : vector<16xf32>
      %exp3A_274 = math.exp %neg3A_273 : vector<16xf32>
      %add3A_275 = arith.constant 2.000000e+00 : f32
      %add3A_276 = vector.broadcast %add3A_275 : f32 to vector<16xf32>
      %add3A_277 = arith.addf %add3A_276, %exp3A_274 : vector<16xf32>
      %div3A_278 = arith.divf %exp3A_274, %add3A_277 : vector<16xf32>
      %mul3A_279 = arith.mulf %div3A_278, %div3A_278 : vector<16xf32>
      %mul3A_280 = arith.constant 0.142857149 : f32
      %mul3A_281 = vector.broadcast %mul3A_280 : f32 to vector<16xf32>
      %mul3A_282 = arith.mulf %mul3A_279, %mul3A_281 : vector<16xf32>
      %add3A_283 = arith.constant 2.000000e-01 : f32
      %add3A_284 = vector.broadcast %add3A_283 : f32 to vector<16xf32>
      %add3A_285 = arith.addf %add3A_284, %mul3A_282 : vector<16xf32>
      %mul3A_286 = arith.mulf %mul3A_279, %add3A_285 : vector<16xf32>
      %add3A_287 = arith.constant 0.333333343 : f32
      %add3A_288 = vector.broadcast %add3A_287 : f32 to vector<16xf32>
      %add3A_289 = arith.addf %add3A_288, %mul3A_286 : vector<16xf32>
      %mul3A_290 = arith.mulf %mul3A_279, %add3A_289 : vector<16xf32>
      %mul3A_291 = arith.mulf %div3A_278, %mul3A_290 : vector<16xf32>
      %add3A_292 = arith.addf %div3A_278, %mul3A_291 : vector<16xf32>
      %mul3A_293 = arith.constant 2.000000e+00 : f32
      %mul3A_294 = vector.broadcast %mul3A_293 : f32 to vector<16xf32>
      %mul3A_295 = arith.mulf %mul3A_294, %add3A_292 : vector<16xf32>
      %add3A_296 = arith.addf %max3A_268, %mul3A_295 : vector<16xf32>
      %sub3A_297 = arith.constant 1 : i32
      %sub3A_298 = arith.subi %scan3A_216, %sub3A_297 : i32
      %eq3A_299 = vector.broadcast %sub3A_298 : i32 to vector<16xi32>
      %eq3A_300 = arith.cmpi eq, %add3A_265, %eq3A_299 : vector<16xi32>
      %select_n3A_301 = arith.select %eq3A_300, %add3A_267, %add3A_266 : vector<16xi1>, vector<16xf32>
      %lt3A_302 = vector.broadcast %scan3A_216 : i32 to vector<16xi32>
      %lt3A_303 = arith.cmpi slt, %add3A_265, %lt3A_302 : vector<16xi32>
      %sub3A_304 = arith.subf %select_n3A_301, %add3A_296 : vector<16xf32>
      %jit3A_305 = arith.constant 0.000000e+00 : f32
      %broadcast_in_dim3A_306 = vector.broadcast %jit3A_305 : f32 to vector<16xf32>
      %select_n3A_307 = arith.select %lt3A_303, %sub3A_304, %broadcast_in_dim3A_306 : vector<16xi1>, vector<16xf32>
      %add3A_308 = arith.addf %add3A_262, %select_n3A_307 : vector<16xf32>
      %add3A_309 = arith.constant 32 : i32
      %add3A_310 = vector.broadcast %add3A_309 : i32 to vector<16xi32>
      %add3A_311 = arith.addi %iota3A, %add3A_310 : vector<16xi32>
      %add3A_312 = arith.addf %gather3A, %mul3A_146 : vector<16xf32>
      %add3A_313 = arith.addf %gather3A_222, %mul3A_147 : vector<16xf32>
      %max3A_314 = arith.maximumf %add3A_312, %add3A_313 : vector<16xf32>
      %sub3A_315 = arith.subf %add3A_312, %add3A_313 : vector<16xf32>
      %abs3A_316 = math.absf %sub3A_315 : vector<16xf32>
      %neg3A_317 = arith.constant 0.000000e+00 : f32
      %neg3A_318 = vector.broadcast %neg3A_317 : f32 to vector<16xf32>
      %neg3A_319 = arith.subf %neg3A_318, %abs3A_316 : vector<16xf32>
      %exp3A_320 = math.exp %neg3A_319 : vector<16xf32>
      %add3A_321 = arith.constant 2.000000e+00 : f32
      %add3A_322 = vector.broadcast %add3A_321 : f32 to vector<16xf32>
      %add3A_323 = arith.addf %add3A_322, %exp3A_320 : vector<16xf32>
      %div3A_324 = arith.divf %exp3A_320, %add3A_323 : vector<16xf32>
      %mul3A_325 = arith.mulf %div3A_324, %div3A_324 : vector<16xf32>
      %mul3A_326 = arith.constant 0.142857149 : f32
      %mul3A_327 = vector.broadcast %mul3A_326 : f32 to vector<16xf32>
      %mul3A_328 = arith.mulf %mul3A_325, %mul3A_327 : vector<16xf32>
      %add3A_329 = arith.constant 2.000000e-01 : f32
      %add3A_330 = vector.broadcast %add3A_329 : f32 to vector<16xf32>
      %add3A_331 = arith.addf %add3A_330, %mul3A_328 : vector<16xf32>
      %mul3A_332 = arith.mulf %mul3A_325, %add3A_331 : vector<16xf32>
      %add3A_333 = arith.constant 0.333333343 : f32
      %add3A_334 = vector.broadcast %add3A_333 : f32 to vector<16xf32>
      %add3A_335 = arith.addf %add3A_334, %mul3A_332 : vector<16xf32>
      %mul3A_336 = arith.mulf %mul3A_325, %add3A_335 : vector<16xf32>
      %mul3A_337 = arith.mulf %div3A_324, %mul3A_336 : vector<16xf32>
      %add3A_338 = arith.addf %div3A_324, %mul3A_337 : vector<16xf32>
      %mul3A_339 = arith.constant 2.000000e+00 : f32
      %mul3A_340 = vector.broadcast %mul3A_339 : f32 to vector<16xf32>
      %mul3A_341 = arith.mulf %mul3A_340, %add3A_338 : vector<16xf32>
      %add3A_342 = arith.addf %max3A_314, %mul3A_341 : vector<16xf32>
      %sub3A_343 = arith.constant 1 : i32
      %sub3A_344 = arith.subi %scan3A_216, %sub3A_343 : i32
      %eq3A_345 = vector.broadcast %sub3A_344 : i32 to vector<16xi32>
      %eq3A_346 = arith.cmpi eq, %add3A_311, %eq3A_345 : vector<16xi32>
      %select_n3A_347 = arith.select %eq3A_346, %add3A_313, %add3A_312 : vector<16xi1>, vector<16xf32>
      %lt3A_348 = vector.broadcast %scan3A_216 : i32 to vector<16xi32>
      %lt3A_349 = arith.cmpi slt, %add3A_311, %lt3A_348 : vector<16xi32>
      %sub3A_350 = arith.subf %select_n3A_347, %add3A_342 : vector<16xf32>
      %jit3A_351 = arith.constant 0.000000e+00 : f32
      %broadcast_in_dim3A_352 = vector.broadcast %jit3A_351 : f32 to vector<16xf32>
      %select_n3A_353 = arith.select %lt3A_349, %sub3A_350, %broadcast_in_dim3A_352 : vector<16xi1>, vector<16xf32>
      %add3A_354 = arith.addf %add3A_308, %select_n3A_353 : vector<16xf32>
      %add3A_355 = arith.constant 48 : i32
      %add3A_356 = vector.broadcast %add3A_355 : i32 to vector<16xi32>
      %add3A_357 = arith.addi %iota3A, %add3A_356 : vector<16xi32>
      %add3A_358 = arith.addf %gather3A, %mul3A_173 : vector<16xf32>
      %add3A_359 = arith.addf %gather3A_222, %mul3A_174 : vector<16xf32>
      %max3A_360 = arith.maximumf %add3A_358, %add3A_359 : vector<16xf32>
      %sub3A_361 = arith.subf %add3A_358, %add3A_359 : vector<16xf32>
      %abs3A_362 = math.absf %sub3A_361 : vector<16xf32>
      %neg3A_363 = arith.constant 0.000000e+00 : f32
      %neg3A_364 = vector.broadcast %neg3A_363 : f32 to vector<16xf32>
      %neg3A_365 = arith.subf %neg3A_364, %abs3A_362 : vector<16xf32>
      %exp3A_366 = math.exp %neg3A_365 : vector<16xf32>
      %add3A_367 = arith.constant 2.000000e+00 : f32
      %add3A_368 = vector.broadcast %add3A_367 : f32 to vector<16xf32>
      %add3A_369 = arith.addf %add3A_368, %exp3A_366 : vector<16xf32>
      %div3A_370 = arith.divf %exp3A_366, %add3A_369 : vector<16xf32>
      %mul3A_371 = arith.mulf %div3A_370, %div3A_370 : vector<16xf32>
      %mul3A_372 = arith.constant 0.142857149 : f32
      %mul3A_373 = vector.broadcast %mul3A_372 : f32 to vector<16xf32>
      %mul3A_374 = arith.mulf %mul3A_371, %mul3A_373 : vector<16xf32>
      %add3A_375 = arith.constant 2.000000e-01 : f32
      %add3A_376 = vector.broadcast %add3A_375 : f32 to vector<16xf32>
      %add3A_377 = arith.addf %add3A_376, %mul3A_374 : vector<16xf32>
      %mul3A_378 = arith.mulf %mul3A_371, %add3A_377 : vector<16xf32>
      %add3A_379 = arith.constant 0.333333343 : f32
      %add3A_380 = vector.broadcast %add3A_379 : f32 to vector<16xf32>
      %add3A_381 = arith.addf %add3A_380, %mul3A_378 : vector<16xf32>
      %mul3A_382 = arith.mulf %mul3A_371, %add3A_381 : vector<16xf32>
      %mul3A_383 = arith.mulf %div3A_370, %mul3A_382 : vector<16xf32>
      %add3A_384 = arith.addf %div3A_370, %mul3A_383 : vector<16xf32>
      %mul3A_385 = arith.constant 2.000000e+00 : f32
      %mul3A_386 = vector.broadcast %mul3A_385 : f32 to vector<16xf32>
      %mul3A_387 = arith.mulf %mul3A_386, %add3A_384 : vector<16xf32>
      %add3A_388 = arith.addf %max3A_360, %mul3A_387 : vector<16xf32>
      %sub3A_389 = arith.constant 1 : i32
      %sub3A_390 = arith.subi %scan3A_216, %sub3A_389 : i32
      %eq3A_391 = vector.broadcast %sub3A_390 : i32 to vector<16xi32>
      %eq3A_392 = arith.cmpi eq, %add3A_357, %eq3A_391 : vector<16xi32>
      %select_n3A_393 = arith.select %eq3A_392, %add3A_359, %add3A_358 : vector<16xi1>, vector<16xf32>
      %lt3A_394 = vector.broadcast %scan3A_216 : i32 to vector<16xi32>
      %lt3A_395 = arith.cmpi slt, %add3A_357, %lt3A_394 : vector<16xi32>
      %sub3A_396 = arith.subf %select_n3A_393, %add3A_388 : vector<16xf32>
      %jit3A_397 = arith.constant 0.000000e+00 : f32
      %broadcast_in_dim3A_398 = vector.broadcast %jit3A_397 : f32 to vector<16xf32>
      %select_n3A_399 = arith.select %lt3A_395, %sub3A_396, %broadcast_in_dim3A_398 : vector<16xi1>, vector<16xf32>
      %add3A_400 = arith.addf %add3A_354, %select_n3A_399 : vector<16xf32>
      scf.yield %add3A_400 : vector<16xf32>
    }
    %scan3A_198 = arith.constant 16 : i32
    %swap3A_199 = arith.constant 0 : i32
    %swap3A_200 = arith.constant 0 : i32
    %swap3A_201 = arith.index_cast %swap3A_200 : i32 to index
    %swap3A_202 = memref.load %arg9[%swap3A_201] : memref<1xi32, #tpu.memory_space<smem>>
    memref.store %swap3A_199, %arg9[%swap3A_201] : memref<1xi32, #tpu.memory_space<smem>>
    %barrier3A = arith.constant 0 : index
    tpu.barrier barrier_id(%barrier3A)
    %reduce_sum3A_203 = arith.constant true
    %reduce_sum3A_204 = vector.broadcast %reduce_sum3A_203 : i1 to vector<16xi1>
    %reduce_sum3A_205 = tpu.scan <sum>, %scan3A_197 masked %reduce_sum3A_204 : vector<16xf32>, vector<16xi1> -> vector<16xf32>
    %reduce_sum3A_206 = vector.extract %reduce_sum3A_205[15] : f32 from vector<16xf32>
    %mul3A_207 = arith.constant 2.560000e+02 : f32
    %mul3A_208 = arith.mulf %reduce_sum3A_206, %mul3A_207 : f32
    %convert_element_type3A_209 = arith.fptosi %mul3A_208 : f32 to i32
    %sc_fetch_and_add3A = arith.constant 0 : i32
    %sc_fetch_and_add3A_210 = arith.constant 0 : i32
    %sc_fetch_and_add3A_211 = tpu.fetch_and_add_sync %arg9[%sc_fetch_and_add3A], %convert_element_type3A_209, %sc_fetch_and_add3A_210 : memref<1xi32, #tpu.memory_space<smem>>, i32 -> i32
    %barrier3A_212 = arith.constant 0 : index
    tpu.barrier barrier_id(%barrier3A_212)
    %eq3A = arith.constant 0 : i32
    %eq3A_213 = arith.cmpi eq, %arg1, %eq3A : i32
    %convert_element_type3A_214 = arith.extui %eq3A_213 : i1 to i32
    %cond3A = arith.constant 0 : i32
    %cond3A_215 = arith.cmpi ne, %convert_element_type3A_214, %cond3A : i32
    scf.if %cond3A_215 {
      %get3A_216 = arith.constant 0 : i32
      %get3A_217 = arith.index_cast %get3A_216 : i32 to index
      %get3A_218 = memref.load %arg9[%get3A_217] : memref<1xi32, #tpu.memory_space<smem>>
      %convert_element_type3A_219 = arith.sitofp %get3A_218 : i32 to f32
      %mul3A_220 = arith.constant -1.21101507E-7 : f32
      %mul3A_221 = arith.mulf %convert_element_type3A_219, %mul3A_220 : f32
      %broadcast_in_dim3A_222 = vector.broadcast %mul3A_221 : f32 to vector<16xf32>
      %swap3A_223 = arith.constant 0 : index
      %swap3A_224 = tpu.vector_load %arg8[%swap3A_223] {strides = array<i32>} : memref<16xf32, #tpu.memory_space<vmem>>, vector<16xf32>,
      tpu.vector_store %arg8[%swap3A_223], %broadcast_in_dim3A_222 {strides = array<i32>} : memref<16xf32, #tpu.memory_space<vmem>>, vector<16xf32>,
      "tpu.region"() ({
        %run_scoped3A = tpu.sem_alloc : memref<!tpu.dma_semaphore, #tpu.memory_space<semaphore_mem>>
        tpu.enqueue_dma source(%arg8 : memref<16xf32, #tpu.memory_space<vmem>>) target(%arg4 : memref<16xf32, #tpu.memory_space<hbm>>) target_semaphore(%run_scoped3A : memref<!tpu.dma_semaphore, #tpu.memory_space<semaphore_mem>>)
        tpu.wait_dma2 semaphore(%run_scoped3A : memref<!tpu.dma_semaphore, #tpu.memory_space<semaphore_mem>>) src(%arg8 : memref<16xf32, #tpu.memory_space<vmem>>) dst(%arg4 : memref<16xf32, #tpu.memory_space<hbm>>)
        tpu.yield
      }) : () -> ()
    } else {
    }
    return
  }
}

</mosaic_0001>

<sc_bundles>
// kernel: kernel.3.cloned.1.call-start
scs
__scs_entry_jumppad:
0x0: {  	(pc) =	sbr.rel $0x88, $3  }
0x1: {  	(tag) =	ssettag $0x0;
	lr =	simm.s32 $0x1  }
0x2: {  	[smem:$0x3F9D] =	sst lr;
	_ =	strace $0xD0000000  }
0x3: {  	_ = 	snop  }
0x4: {  	_ = 	snop  }
0x5: {  	_ = 	snop  }
0x6: {  	_ = 	snop  }
0x7: {  	_ = 	snop  }
__scs_overlays_trampoline_lowered:
0x8: {  	[smem:$0x3FAC] =	sst s0  }
0x9: {  	[smem:$0x3FAD] =	sst s1  }
0xa: {  	[smem:$0x3FAE] =	sst s2  }
0xb: {  	[smem:$0x3FAF] =	sst s3  }
0xc: {  	[smem:$0x3FB0] =	sst s4  }
0xd: {  	[smem:$0x3FB1] =	sst s5  }
0xe: {  	[smem:$0x3FB2] =	sst s6  }
0xf: {  	[smem:$0x3FB3] =	sst s7  }
0x10: {  	[smem:$0x3FB4] =	sst s8  }
0x11: {  	[smem:$0x3FB5] =	sst s9;
	s0 =	simm.s32 @!p0 $0x0  }
0x12: {  	s1 =	sld [smem:$0x3F9B];
	s0 =	simm.s32 @p0 $0x1  }
0x13: {  	[smem:$0x3FB6] =	sst s0;
	s0 =	simm.s32 @!p1 $0x0  }
0x14: {  	s2 =	sld [smem:$0x3F9A];
	s0 =	simm.s32 @p1 $0x1  }
0x15: {  	[smem:$0x3FB7] =	sst s0;
	s0 =	simm.s32 @!p2 $0x0  }
0x16: {  	s3 =	sld [smem:$0x3FDB];
	s0 =	simm.s32 @p2 $0x1  }
0x17: {  	s4 =	simm.s32 $0x1BF5;
	[smem:$0x3FB9] =	sst s0  }
0x18: {  	s0 =	sld [smem:$0x3F9C];
	_ =	swait.ge [sflag:s4], $0x0  }
0x19: {  	s7 =	sld [smem:$0x3F9D]  }
0x1a: {  	s8 =	sadd.s32 $0xFFFFE003, lr  }
0x1b: {  	s9 =	sadd.s32 $0xFFFFFEF7, lr;
	s5 =	simm.s32 $0xFFFFFFFF;
	p2 =	slt.u32 s8, $0xFFFFF086  }
0x1c: {  	p1 =	slt.u32 s9, $0xF7A;
	s5 =	simm.s32 @!p2 $0x0  }
0x1d: {  	s5 =	simm.s32 @p1 $0x1;
	p0 =	seq.s32 s7, s2  }
0x1e: {  	s7 =	smul.u32 @!p0 $0xF7A, s2;
	p2 =	seq.s32 @!p0 s5, $0x0  }
0x1f: {  	s9 =	smul.u32 $0xF7A, s1;
	s8 =	simm.s32 @!p0 $0x1BF5;
	p2 =	por !p2, p0  }
0x20: {  	[sflag:s8] =	ssyncset.s32 @!p0 $0xFFFFF086;
	s6 =	sadd.s32 @!p0 s3, s7;
	s7 =	simm.s32 @!p0 $0x108  }
0x21: {  	s3 =	sadd.s32 s3, s9;
	s6 =	sadd.s32 @!p0 $0x88, s6;
	s7 =	simm.s32 @p2 $0x1082  }
0x22: {  	[simem:s7], [sflag:s8] =	dma.local @!p0 [hbm:s6], $0xF7A  }
0x23: {  	s9 =	sor.u32 $0xD0000000, s2;
	s6 =	simm.s32 $0x108;
	_ =	swait.ge @!p0 [sflag:s8], $0x0  }
0x24: {  	s3 =	sadd.s32 $0x88, s3;
	s6 =	simm.s32 @!p1 $0x1082;
	[sflag:s4] =	ssyncset.s32 $0xFFFFF086  }
0x25: {  	[simem:s6], [sflag:s4] =	dma.local [hbm:s3], $0xF7A  }
0x26: {  	[smem:$0x3F9D] =	sst s1;
	(tag) =	ssettag s2;
	_ =	strace s9  }
0x27: {  	s1 =	sld [smem:$0x3FAD]  }
0x28: {  	s2 =	sld [smem:$0x3FAE]  }
0x29: {  	s4 =	sld [smem:$0x3FB0]  }
0x2a: {  	p0 =	seq.s32 s5, $0x0;
	s5 =	sld [smem:$0x3FB1]  }
0x2b: {  	s6 =	sld [smem:$0x3FB2]  }
0x2c: {  	s7 =	sld [smem:$0x3FB3]  }
0x2d: {  	s3 =	simm.s32 $0x108;
	s8 =	sld [smem:$0x3FB4]  }
0x2e: {  	s3 =	simm.s32 @!p0 $0x1082;
	s9 =	sld [smem:$0x3FB5]  }
0x2f: {  	lr =	sadd.s32 s0, s3;
	s0 =	sld [smem:$0x3FAC]  }
0x30: {  	s3 =	sld [smem:$0x3FAF]  }
0x31: {  	[smem:$0x3FB8] =	sst s10  }
0x32: {  	s10 =	sld [smem:$0x3FB6];
	_ =	sdelay $0x3  }
0x33: {  	p0 =	seq.s32 s10, $0x1;
	s10 =	sld [smem:$0x3FB8];
	_ =	sdelay $0x3  }
0x34: {  	[smem:$0x3FB8] =	sst s10  }
0x35: {  	s10 =	sld [smem:$0x3FB7];
	_ =	sdelay $0x3  }
0x36: {  	p1 =	seq.s32 s10, $0x1;
	s10 =	sld [smem:$0x3FB8];
	_ =	sdelay $0x3  }
0x37: {  	[smem:$0x3FB8] =	sst s10  }
0x38: {  	s10 =	sld [smem:$0x3FB9]  }
0x39: {  	_ = 	snop;
	(pc) =	sbr.ind lr, $3  }
0x3a: {  	_ = 	snop  }
0x3b: {  	_ = 	snop  }
0x3c: {  	p2 =	seq.s32 s10, $0x1;
	s10 =	sld [smem:$0x3FB8]  }
0x3d: {  	_ =	shalt  }
0x3e: {  	_ =	shalt  }
0x3f: {  	_ =	shalt  }
0x40: {  	_ =	shalt  }
0x41: {  	_ =	shalt  }
0x42: {  	_ =	shalt  }
0x43: {  	_ =	shalt  }
0x44: {  	_ =	shalt  }
0x45: {  	_ =	shalt  }
0x46: {  	_ =	shalt  }
0x47: {  	_ =	shalt  }
0x48: {  	_ =	shalt  }
0x49: {  	_ =	shalt  }
0x4a: {  	_ =	shalt  }
0x4b: {  	_ =	shalt  }
0x4c: {  	_ =	shalt  }
0x4d: {  	_ =	shalt  }
0x4e: {  	_ =	shalt  }
0x4f: {  	_ =	shalt  }
0x50: {  	_ =	shalt  }
0x51: {  	_ =	shalt  }
0x52: {  	_ =	shalt  }
0x53: {  	_ =	shalt  }
0x54: {  	_ =	shalt  }
0x55: {  	_ =	shalt  }
0x56: {  	_ =	shalt  }
0x57: {  	_ =	shalt  }
0x58: {  	_ =	shalt  }
0x59: {  	_ =	shalt  }
0x5a: {  	_ =	shalt  }
0x5b: {  	_ =	shalt  }
0x5c: {  	_ =	shalt  }
0x5d: {  	_ =	shalt  }
0x5e: {  	_ =	shalt  }
0x5f: {  	_ =	shalt  }
0x60: {  	_ =	shalt  }
0x61: {  	_ =	shalt  }
0x62: {  	_ =	shalt  }
0x63: {  	_ =	shalt  }
0x64: {  	_ =	shalt  }
0x65: {  	_ =	shalt  }
0x66: {  	_ =	shalt  }
0x67: {  	_ =	shalt  }
0x68: {  	_ =	shalt  }
0x69: {  	_ =	shalt  }
0x6a: {  	_ =	shalt  }
0x6b: {  	_ =	shalt  }
0x6c: {  	_ =	shalt  }
0x6d: {  	_ =	shalt  }
0x6e: {  	_ =	shalt  }
0x6f: {  	_ =	shalt  }
0x70: {  	_ =	shalt  }
0x71: {  	_ =	shalt  }
0x72: {  	_ =	shalt  }
0x73: {  	_ =	shalt  }
0x74: {  	_ =	shalt  }
0x75: {  	_ =	shalt  }
0x76: {  	_ =	shalt  }
0x77: {  	_ =	shalt  }
0x78: {  	_ =	shalt  }
0x79: {  	_ =	shalt  }
0x7a: {  	_ =	shalt  }
0x7b: {  	_ =	shalt  }
0x7c: {  	_ =	shalt  }
0x7d: {  	_ =	shalt  }
0x7e: {  	_ =	shalt  }
0x7f: {  	_ =	shalt  }
0x80: {  	_ =	shalt  }
0x81: {  	_ =	shalt  }
0x82: {  	_ =	shalt  }
0x83: {  	_ =	shalt  }
0x84: {  	_ =	shalt  }
0x85: {  	_ =	shalt  }
0x86: {  	_ =	shalt  }
0x87: {  	_ =	shalt  }
.Lfunc_end0:
.L_simem_size_0:
called_computation_lowered:
.L_overlay_start_0:
0x88: {  	s0 =	sld [smem:$0x3FD9]  }
0x89: {  	s1 =	sld [smem:$0x3FFE];
	_ =	sdelay $0x3  }
0x8a: {  	s0 =	sadd.s32 s1, s0  }
0x8b: {  	[smem:$0x3FC4] =	sst s0  }
0x8c: {  	_ = 	snop  }
0x8d: {  	s0 =	sld [smem:$0x3FD0];
	(tm) =	ssettm $0x1  }
0x8e: {  	s16 =	sld [smem:$0x3FFB];
	_ =	sdelay $0x3  }
0x8f: {  	_ =	strace s16  }
0x90: {  	s1 =	sld [smem:$0x3FFC];
	_ =	sdelay $0x3  }
0x91: {  	_ =	strace s1  }
0x92: {  	s1 =	sld [smem:$0x3FFD];
	_ =	sdelay $0x3  }
0x93: {  	_ =	strace s1  }
0x94: {  	_ =	strace $0x8FFFFFFF  }
0x95: {  	s17 =	sld [smem:$0x3FDB];
	_ =	sdelay $0x1  }
0x96: {  	s2 =	simm.s32 $_scs_section_size  }
0x97: {  	s3 =	simm.s32 $_size__tile_overlayer_lowered;
	s4 =	simm.s32 $_tile_overlayer_lowered  }
0x98: {  	s20 =	simm.s32 $0x1BFF;
	s19 =	sshll.u32 s4, $0x1;
	s1 =	sadd.s32 s2, s17  }
0x99: {  	s5 =	simm.s32 $0x0;
	s18 =	sshll.u32 s3, $0x1;
	s3 =	sadd.s32 s19, s1  }
0x9a: {  	[timem:s5], [sflag:s20] =	dma.local [hbm:s3], s18  }
0x9b: {  	_ =	swait.ge [sflag:s20], s18  }
0x9c: {  	s2 =	ssub.s32 $0x0, s18;
	[sflag:s20] =	ssyncset.done $0x0  }
0x9d: {  	[sflag:s20] =	ssyncadd.s32 s2;
	_ =	sdelay $0x1  }
0x9e: {  	s21 =	simm.s32 $0x1B8B  }
0x9f: {  	_ =	swait.ge [sflag:s21], $0x1  }
0xa0: {  	[sflag:s21] =	ssyncset.done $0x0  }
0xa1: {  	s23 =	simm.s32 $0x1B8E;
	s22 =	sld [smem:$0x3FFE];
	[sflag:s21] =	ssyncadd.s32 $0xFFFFFFFF  }
0xa2: {  	s24 =	simm.s32 $execute0_lowered;
	[smem:$0x3FD2] =	sst s23  }
0xa3: {  	s3 =	sshll.u32 s24, $0x1;
	_ =	strace $0x80000046;
	[dreg:$0x1] =	wrdreg $0xFFFFFFFF  }
0xa4: {  	s25 =	simm.s32 $_size_execute0_lowered;
	s1 =	sadd.s32 s1, s3;
	[dreg:$0x0] =	wrdreg $0x0  }
0xa5: {  	s3 =	sshll.u32 s25, $0x1;
	[dreg:$0x2] =	wrdreg s1  }
0xa6: {  	[dreg:$0x3] =	wrdreg s3  }
0xa7: {  	[dreg:$0x4] =	wrdreg $0xC0  }
0xa8: {  	_ =	task [dreg:s5], $0x5FFFF  }
0xa9: {  	[dreg:$0x1] =	wrdreg $0xFFFFFFFF  }
0xaa: {  	[dreg:$0x0] =	wrdreg $0x60  }
0xab: {  	[dreg:$0x2] =	wrdreg s22  }
0xac: {  	[dreg:$0x3] =	wrdreg s0  }
0xad: {  	[dreg:$0x4] =	wrdreg $0x9  }
0xae: {  	_ =	task.clear_ibuf [dreg:s5], $0x5FFFF;
	_ =	strace $0x90000046  }
0xaf: {  	s26 =	simm.s32 $0x9;
	_ =	strace $0x80000048  }
0xb0: {  	_ =	swait.ge [sflag:s26], $0x1  }
0xb1: {  	[sflag:s26] =	ssyncadd.s32 $0xFFFFFFFF  }
0xb2: {  	_ =	strace $0x90000048  }
0xb3: {  	_ =	sfence  }
0xb4: {  	s28 =	sld [smem:$0x0];
	_ =	sdelay $0x1  }
0xb5: {  	s29 =	srdreg.scid  }
0xb6: {  	s30 =	sshll.u32 s29, $0xD;
	s31 =	sshrl.u32 s29, $0x2  }
0xb7: {  	s2 =	sand.u32 $0x4000, s30;
	s1 =	sand.u32 $0x1, s29;
	s0 =	sadd.s32 s31, s28  }
0xb8: {  	s1 =	sor.u32 s2, s1;
	s0 =	sshll.u32 s0, $0x11  }
0xb9: {  	s0 =	sor.u32 s0, s1  }
0xba: {  	s0 =	sadd.s32 $0x8F2B, s0  }
0xbb: {  	[sflag:s0] =	ssyncadd.remote.s32 $0x1  }
0xbc: {  	_ =	sfence.sel $0xFFFF  }
0xbd: {  	[dreg:$0x0] =	wrdreg $0xFFFFFFFF;
	(pc) =	sbr.abs _section_cstart, $3  }
0xbe: {  	[dreg:$0x1] =	wrdreg $0xFFFFFFFF  }
0xbf: {  	_ =	task.clear_ibuf [dreg:s5], $0x2FFFF;
	_ =	strace $0x9FFFFFFF  }
0xc0: {  	(tm) =	ssettm $0x7FFFFFFF  }
0xc1: {  	_ =	shalt  }
tec
execute0_lowered:
.L_overlay_start_1:
0x0: {  	(tag) =	ssettag $0x1  }
0x1: {  	s2 =	stileid.u32  }
0x2: {  	s4 =	rddreg [dreg:$0x0];
	s0 =	sshrl.u32 s2, $0x3  }
0x3: {  	s1 =	rddreg [dreg:$0x1];
	s3 =	sshll.u32 s2, $0x7;
	s5 =	smul.u32 $0x42400, s0  }
0x4: {  	s25 =	simm.s32 $0x80;
	s6 =	smul.u32 $0x4400, s0;
	s7 =	sand.u32 $0x380, s3  }
0x5: {  	s26 =	simm.s32 $0x400;
	s0 =	rddreg [dreg:$0x2];
	s5 =	sor.u32 s7, s5  }
0x6: {  	s3 =	simm.s32 $0x0;
	s6 =	sor.u32 s7, s6;
	s5 =	sshrl.u32 s5, $0x3  }
0x7: {  	[smem:$0x7FF] =	sst s3;
	s6 =	sshrl.u32 s6, $0x3;
	s5 =	sadd.s32 s5, s4  }
0x8: {  	_ =	strace $0x80000047;
	s4 =	sadd.s32 s6, s4;
	s5 =	sadd.s32 $0xC00, s5  }
0x9: {  	[tilespmem:s3], [sflag:$0x1] =	stream.strided.gather [hbm4b:s5+s25], $0x8480, s26, s25, $0x38;
	[tilespmem:$0x8E80] =	vst v63  }
0xa: {  	v0 =	vlaneseq.u32;
	s29 =	simm.s32 $0x1;
	s28 =	sadd.s32 $0x11600, s4;
	s4 =	simm.s32 $0x8480  }
0xb: {  	v8 =	vmul.u32 $0x211, v0;
	[tilespmem:s4], [sflag:$0x1] =	stream.strided.gather [hbm4b:s28+s25], $0x880, s26, s25, $0x38;
	[tilespmem:$0x8E80] =	vst v63  }
0xc: {  	s30 =	simm.s32 $0x4;
	v11 =	vand.u32 $0x3, v0;
	_ =	swait.ge [sflag:s29], $0x8480  }
0xd: {  	s31 =	simm.s32 $0x1;
	v0 =	vor.u32 s30, v11;
	v28 =	vadd.s32 $0x6330, v8;
	[sflag:s29] =	ssyncset.done $0x0  }
0xe: {  	v1 =	vadd.s32 s31, v28;
	[sflag:s29] =	ssyncadd.s32 $0xFFFF7B80  }
0xf: {  	v4 =	vor.u32 s3, v11;
	_ =	swait.ge [sflag:s29], $0x880  }
0x10: {  	[sflag:s29] =	ssyncset.done $0x0  }
0x11: {  	v2 =	vadd.s32 s31, v8;
	v30 =	vadd.s32 $0x4220, v8;
	[sflag:s29] =	ssyncadd.s32 $0xFFFFF780  }
0x12: {  	v5 =	vadd.s32 s31, v30;
	v6 =	vld.idx.msk [tilespmem:v0+s4+$0x0], $0xffff  }
0x13: {  	v33 =	vimm.s32 $0x0;
	v3 =	vld.idx.msk [tilespmem:v1+s3+$0x0], $0xffff;
	v1 =	vadd.s32 s3, v8  }
0x14: {  	v34 =	vimm.s32 $0x1;
	v36 =	vimm.s32 $0x2;
	v44 =	vimm.f32 $0.0e+00;
	v26 =	vld.idx.msk [tilespmem:v4+s4+$0x0], $0xffff  }
0x15: {  	v21 =	vimm.f32 $0.0e+00;
	v18 =	vimm.f32 $0.0e+00;
	v32 =	vadd.s32 $0x2110, v8  }
0x16: {  	v13 =	vimm.f32 $0.0e+00;
	v42 =	vimm.f32 $0.0e+00;
	v9 =	vadd.s32 s31, v32;
	v7 =	vld.idx.msk [tilespmem:v2+s3+$0x0], $0xffff  }
0x17: {  	v2 =	vadd.s32 s3, v32;
	v0 =	vimm.s32 $0x3;
	v10 =	vld.idx.msk [tilespmem:v5+s3+$0x0], $0xffff;
	v47 =	vperm.xlane v6, v33  }
0x18: {  	v22 =	vimm.f32 $0.0e+00;
	v35 =	vperm.xlane v6, v34;
	v24 =	vld.idx.msk [tilespmem:v1+s3+$0x0], $0xffff;
	v1 =	vperm.xlane v6, v0  }
0x19: {  	v46 =	vimm.f32 $0.0e+00;
	v16 =	vperm.xlane v6, v36;
	v39 =	vperm.xlane v26, v33  }
0x1a: {  	v17 =	vimm.f32 $0.0e+00;
	v25 =	vperm.xlane v26, v36;
	v4 =	vmul.f32 v3, v35  }
0x1b: {  	v19 =	vadd.s32 s3, v28;
	v12 =	vld.idx.msk [tilespmem:v9+s3+$0x0], $0xffff;
	v48 =	vmul.f32 v7, v47;
	v40 =	vmul.f32 v3, v47  }
0x1c: {  	v9 =	vadd.s32 s3, v30;
	v15 =	vld.idx.msk [tilespmem:v2+s3+$0x0], $0xffff;
	v27 =	vmul.f32 v7, v16;
	v2 =	vmul.f32 v3, v1  }
0x1d: {  	v45 =	vimm.f32 $0.0e+00;
	v23 =	vmul.f32 v7, v1;
	v5 =	vmul.f32 v10, v1  }
0x1e: {  	v43 =	vimm.f32 $0.0e+00;
	v29 =	vmul.f32 v7, v35;
	v20 =	vmul.f32 v10, v47  }
0x1f: {  	v37 =	vimm.f32 $0.0e+00;
	v41 =	vmul.f32 v10, v35;
	v14 =	vmul.f32 v10, v16  }
0x20: {  	v38 =	vimm.f32 $0.0e+00;
	v19 =	vld.idx.msk [tilespmem:v19+s3+$0x0], $0xffff;
	v10 =	vmul.f32 v12, v1;
	v6 =	vmul.f32 v24, v39  }
0x21: {  	v9 =	vld.idx.msk [tilespmem:v9+s3+$0x0], $0xffff;
	v1 =	vimm.f32 $0.0e+00;
	v7 =	vimm.f32 $0.0e+00;
	v50 =	vmul.f32 v15, v39  }
0x22: {  	s6 =	simm.s32 $0x0;
	s5 =	simm.s32 $0x2;
	v31 =	vmul.f32 v24, v25;
	v49 =	vadd.f32 v6, v44;
	v6 =	vimm.f32 $0.0e+00  }
.LBB2_1:
0x23: {  	p0 =	sne.s32 s5, $0x1FE  }
0x24: {  	v44 =	vadd.f32 v50, v44;
	v50 =	vmul.f32 v15, v25;
	v51 =	vmul.f32 v12, v16;
	s6 =	sadd.s32 $0x8, s6;
	s7 =	smov.u32 s5;
	s5 =	sadd.s32 $0x2, s5  }
0x25: {  	v47 =	vmul.f32 v12, v47;
	v1 =	vadd.f32 v31, v1;
	v31 =	vmul.f32 v19, v25  }
0x26: {  	v16 =	vmul.f32 v3, v16;
	v25 =	vmul.f32 v9, v25  }
0x27: {  	v3 =	vperm.xlane v26, v0;
	v52 =	vmul.f32 v19, v39;
	v1 =	vadd.f32 v27, v1  }
0x28: {  	v26 =	vperm.xlane v26, v34;
	v21 =	vadd.f32 v31, v21;
	v31 =	vadd.f32 v48, v49  }
0x29: {  	s8 =	sadd.s32 $0x4, s6;
	v44 =	vadd.f32 v47, v44;
	v18 =	vadd.f32 v25, v18;
	v25 =	vmul.f32 v9, v3  }
0x2a: {  	s9 =	sadd.s32 $0x1, s7;
	v47 =	vmul.f32 v15, v26;
	v15 =	vmul.f32 v15, v3;
	v27 =	vor.u32 s8, v11  }
0x2b: {  	v53 =	vmul.f32 v24, v26;
	v48 =	vadd.s32 s9, v8;
	v49 =	vadd.s32 s9, v28  }
0x2c: {  	v54 =	vadd.s32 s9, v32;
	v24 =	vmul.f32 v24, v3;
	v55 =	vmul.f32 v9, v26  }
0x2d: {  	v6 =	vadd.f32 v50, v6;
	v50 =	vmul.f32 v19, v26;
	v19 =	vmul.f32 v19, v3  }
0x2e: {  	v26 =	vadd.s32 s9, v30;
	v13 =	vadd.f32 v25, v13;
	v25 =	vadd.f32 v52, v42  }
0x2f: {  	v22 =	vadd.f32 v24, v22;
	v6 =	vadd.f32 v51, v6;
	v52 =	vor.u32 s6, v11;
	v27 =	vld.idx.msk [tilespmem:v27+s4+$0x0], $0xffff  }
0x30: {  	v24 =	vadd.s32 s7, v30;
	v46 =	vadd.f32 v55, v46;
	v42 =	vadd.f32 v40, v25;
	v3 =	vld.idx.msk [tilespmem:v49+s3+$0x0], $0xffff  }
0x31: {  	v17 =	vadd.f32 v19, v17;
	v22 =	vadd.f32 v23, v22;
	v25 =	vadd.s32 s7, v8;
	v49 =	vld.idx.msk [tilespmem:v54+s3+$0x0], $0xffff  }
0x32: {  	v19 =	vadd.s32 s7, v28;
	v7 =	vadd.f32 v15, v7;
	v18 =	vadd.f32 v14, v18;
	v51 =	vld.idx.msk [tilespmem:v48+s3+$0x0], $0xffff  }
0x33: {  	v15 =	vadd.f32 v47, v45;
	v14 =	vadd.s32 s7, v32;
	v23 =	vmul.f32 v9, v39;
	v54 =	vld.idx.msk [tilespmem:v26+s3+$0x0], $0xffff  }
0x34: {  	v12 =	vmul.f32 v12, v35;
	v21 =	vadd.f32 v16, v21;
	v13 =	vadd.f32 v5, v13;
	v26 =	vld.idx.msk [tilespmem:v52+s4+$0x0], $0xffff  }
0x35: {  	v7 =	vadd.f32 v10, v7;
	v47 =	vperm.xlane v27, v33;
	v35 =	vperm.xlane v27, v34;
	v9 =	vld.idx.msk [tilespmem:v24+s3+$0x0], $0xffff  }
0x36: {  	v45 =	vadd.f32 v12, v15;
	v46 =	vadd.f32 v41, v46;
	v10 =	vperm.xlane v27, v0;
	v24 =	vld.idx.msk [tilespmem:v25+s3+$0x0], $0xffff  }
0x37: {  	v41 =	vadd.f32 v23, v43;
	v16 =	vperm.xlane v27, v36;
	v52 =	vmul.f32 v3, v35;
	v19 =	vld.idx.msk [tilespmem:v19+s3+$0x0], $0xffff  }
0x38: {  	v5 =	vadd.f32 v53, v37;
	v40 =	vmul.f32 v3, v47;
	v48 =	vmul.f32 v51, v47;
	v15 =	vld.idx.msk [tilespmem:v14+s3+$0x0], $0xffff  }
0x39: {  	v38 =	vadd.f32 v50, v38;
	v12 =	vmovc v49;
	v27 =	vmul.f32 v51, v16;
	v14 =	vmul.f32 v3, v10  }
0x3a: {  	v37 =	vadd.f32 v29, v5;
	v23 =	vmul.f32 v51, v10;
	v39 =	vperm.xlane v26, v33  }
.Ltmp0:
0x3b: {  	v17 =	vadd.f32 v2, v17;
	v5 =	vmul.f32 v54, v10;
	v25 =	vperm.xlane v26, v36;
	v2 =	vmovc v14;
	(pc) =	sbr.rel @p0 .LBB2_1-.Ltmp0, $4  }
0x3c: {  	v43 =	vadd.f32 v20, v41;
	v29 =	vmul.f32 v51, v35;
	v14 =	vmul.f32 v24, v39  }
0x3d: {  	v38 =	vadd.f32 v4, v38;
	v20 =	vmul.f32 v54, v47;
	v41 =	vmul.f32 v54, v35;
	v4 =	vmovc v52  }
0x3e: {  	v49 =	vadd.f32 v14, v31;
	v50 =	vmul.f32 v15, v39;
	v14 =	vmul.f32 v54, v16  }
0x3f: {  	v10 =	vmul.f32 v12, v10;
	v31 =	vmul.f32 v24, v25  }
0x40: {  	v8 =	vperm.xlane v26, v34;
	v11 =	vadd.f32 v50, v44;
	v28 =	vmul.f32 v12, v47  }
0x41: {  	v30 =	vmul.f32 v19, v39;
	v33 =	vadd.f32 v48, v49;
	v35 =	vmul.f32 v12, v35  }
0x42: {  	v63 =	vmul.f32 v9, v39;
	vm10 =	vcmask $0x300;
	vm0 =	vcmask $0x704  }
0x43: {  	v32 =	vld [tilespmem:$0x8C80];
	vm9 =	vcmask $0xB08;
	vm4 =	vcmask $0xF0C;
	vm8 =	vcmask $0x1310  }
0x44: {  	vm7 =	vcmask $0x1714;
	vm5 =	vcmask $0x1B18;
	vm6 =	vcmask $0x1F1C  }
0x45: {  	v36 =	vld [tilespmem:$0x8C90];
	vm3 =	vcmask $0x2320;
	v28 =	vadd.f32 v28, v11;
	v11 =	vmul.f32 v9, v8  }
0x46: {  	vm2 =	vcmask $0x2724;
	vm1 =	vcmask $0x2B28;
	vm12 =	vcmask $0x3330  }
0x47: {  	v62 =	vld [tilespmem:$0x8CA0];
	vm13 =	vcmask $0x3734;
	vm14 =	vcmask $0x3B38;
	v11 =	vadd.f32 v11, v46  }
0x48: {  	v51 =	vld [tilespmem:$0x8CC0];
	v34 =	vmul.f32 v15, v8;
	v30 =	vadd.f32 v30, v42;
	v32 =	vadd.f32 $0.0e+00, v32  }
0x49: {  	v61 =	vmul.f32 v24, v8;
	v39 =	vadd.f32 v63, v43;
	v44 =	vadd.f32 v41, v11;
	v11 =	vld [tilespmem:$0x8CB0]  }
0x4a: {  	v8 =	vmul.f32 v19, v8;
	v34 =	vadd.f32 v34, v45;
	v32 =	vadd.f32 v36, v32  }
0x4b: {  	v30 =	vadd.f32 v40, v30;
	v45 =	vimm.f32 $1.500000000e+01;
	v37 =	vadd.f32 v61, v37  }
0x4c: {  	v48 =	vadd.f32 v20, v39;
	v20 =	vimm.f32 $6.300000000e+01;
	v32 =	vadd.f32 v62, v32  }
0x4d: {  	v8 =	vadd.f32 v8, v38;
	v46 =	vsel vm10, $0x0, v45;
	v20 =	vsel vm10, $0x42400000, v20  }
0x4e: {  	v53 =	vbroadcast v51, $0x0;
	v36 =	vsel vm0, $0x3F800000, v46;
	v11 =	vadd.f32 v11, v32  }
0x4f: {  	v38 =	vbroadcast v51, $0x1;
	v34 =	vadd.f32 v35, v34;
	v36 =	vsel vm9, $0x40000000, v36  }
0x50: {  	v29 =	vadd.f32 v29, v37;
	v49 =	vadd.f32 v4, v8;
	v36 =	vsel vm4, $0x40400000, v36;
	(xrf2) =	vadd.scan.msk.f32 $0xffff, v11  }
0x51: {  	v8 =	vimm.f32 $3.100000000e+01;
	v20 =	vsel vm0, $0x42440000, v20;
	v47 =	vsel vm8, $0x40800000, v36  }
0x52: {  	v8 =	vsel vm10, $0x41800000, v8;
	v20 =	vsel vm9, $0x42480000, v20;
	v32 =	vsel vm7, $0x40A00000, v47  }
0x53: {  	v8 =	vsel vm0, $0x41880000, v8;
	v20 =	vsel vm4, $0x424C0000, v20;
	v11 =	vsel vm5, $0x40C00000, v32  }
0x54: {  	v8 =	vsel vm9, $0x41900000, v8;
	v20 =	vsel vm8, $0x42500000, v20;
	v11 =	vsel vm6, $0x40E00000, v11  }
0x55: {  	v8 =	vsel vm4, $0x41980000, v8;
	v4 =	vsel vm3, $0x41000000, v11;
	v11 =	vimm.f32 $4.700000000e+01  }
0x56: {  	v20 =	vsel vm7, $0x42540000, v20;
	v8 =	vsel vm8, $0x41A00000, v8;
	v11 =	vsel vm10, $0x42000000, v11  }
0x57: {  	v20 =	vsel vm5, $0x42580000, v20;
	v4 =	vsel vm2, $0x41100000, v4;
	v11 =	vsel vm0, $0x42040000, v11  }
0x58: {  	v4 =	vsel vm1, $0x41200000, v4;
	vm0 =	vcmask $0x2F2C;
	v11 =	vsel vm9, $0x42080000, v11  }
0x59: {  	v8 =	vsel vm7, $0x41A80000, v8;
	v4 =	vsel vm0, $0x41300000, v4;
	v11 =	vsel vm4, $0x420C0000, v11  }
0x5a: {  	v20 =	vsel vm6, $0x425C0000, v20;
	v4 =	vsel vm12, $0x41400000, v4;
	v11 =	vsel vm8, $0x42100000, v11;
	v50, _, _ =	vpop (xrf2)  }
0x5b: {  	v4 =	vsel vm13, $0x41500000, v4;
	v11 =	vsel vm7, $0x42140000, v11;
	v37 =	vbroadcast v50, $0xF  }
0x5c: {  	v8 =	vsel vm5, $0x41B00000, v8;
	v4 =	vsel vm14, $0x41600000, v4;
	v11 =	vsel vm5, $0x42180000, v11  }
0x5d: {  	v8 =	vsel vm6, $0x41B80000, v8;
	v11 =	vsel vm6, $0x421C0000, v11;
	vm15 =	vgt.f32 v37, v4  }
0x5e: {  	v4 =	vsel vm3, $0x41C00000, v8;
	v8 =	vsel vm3, $0x42200000, v11;
	v11 =	vsel vm3, $0x42600000, v20  }
0x5f: {  	v20 =	vimm.f32 $0.0e+00;
	v4 =	vsel vm2, $0x41C80000, v4;
	v8 =	vsel vm2, $0x42240000, v8  }
0x60: {  	v11 =	vsel vm2, $0x42640000, v11;
	v52 =	vsel vm15, $0x3F800000, v20;
	v4 =	vsel vm1, $0x41D00000, v4  }
0x61: {  	v33 =	vmul.f32 v52, v33;
	v8 =	vsel vm1, $0x42280000, v8;
	v4 =	vsel vm0, $0x41D80000, v4  }
0x62: {  	v11 =	vsel vm1, $0x42680000, v11;
	v29 =	vmul.f32 v52, v29;
	v4 =	vsel vm12, $0x41E00000, v4  }
0x63: {  	v8 =	vsel vm0, $0x422C0000, v8;
	v33 =	vadd.f32 v33, v53;
	v4 =	vsel vm13, $0x41E80000, v4  }
0x64: {  	v29 =	vadd.f32 v29, v38;
	v8 =	vsel vm12, $0x42300000, v8;
	v4 =	vsel vm14, $0x41F00000, v4  }
0x65: {  	vm1 =	vgt.f32 v37, v4;
	v4 =	vsel vm13, $0x42340000, v8;
	v8 =	vsel vm0, $0x426C0000, v11  }
0x66: {  	v11 =	vsel vm1, $0x3F800000, v20;
	v4 =	vsel vm14, $0x42380000, v4;
	v8 =	vsel vm12, $0x42700000, v8  }
0x67: {  	v28 =	vmul.f32 v11, v28;
	vm0 =	vgt.f32 v37, v4;
	v4 =	vsel vm13, $0x42740000, v8  }
0x68: {  	v34 =	vmul.f32 v11, v34;
	v8 =	vsel vm0, $0x3F800000, v20;
	v4 =	vsel vm14, $0x42780000, v4  }
0x69: {  	[tilespmem:$0x8D00] =	vst v33;
	v28 =	vadd.f32 v28, v53;
	v32 =	vmul.f32 v8, v48;
	vm0 =	vgt.f32 v37, v4  }
0x6a: {  	[tilespmem:$0x8D80] =	vst v29;
	v29 =	vadd.f32 v34, v38;
	v54 =	vmul.f32 v8, v44;
	v4 =	vsel vm0, $0x3F800000, v20  }
0x6b: {  	s3 =	simm.s32 $0x0;
	[tilespmem:$0x8D10] =	vst v28;
	v28 =	vadd.f32 v32, v53;
	v30 =	vmul.f32 v4, v30  }
0x6c: {  	v33 =	vmov s3;
	[tilespmem:$0x8D90] =	vst v29;
	v29 =	vadd.f32 v54, v38;
	v55 =	vmul.f32 v4, v49  }
0x6d: {  	v56 =	vperm.xlane v26, v0;
	v26 =	vor.u32 $0x80, v33;
	[tilespmem:$0x8D20] =	vst v28;
	v0 =	vadd.f32 v30, v53  }
0x6e: {  	[tilespmem:$0x8DA0] =	vst v29;
	v28 =	vadd.f32 v55, v38  }
0x6f: {  	v24 =	vmul.f32 v24, v56;
	[tilespmem:$0x8D30] =	vst v0  }
0x70: {  	s9 =	simm.s32 $0x8D00;
	[tilespmem:$0x8DB0] =	vst v28  }
0x71: {  	v0 =	vadd.f32 v31, v1;
	v1 =	vadd.f32 v24, v22;
	v22 =	vld.idx.msk [tilespmem:v33+s9+$0x0], $0xffff  }
0x72: {  	v26 =	vld.idx.msk [tilespmem:v26+s9+$0x0], $0xffff  }
0x73: {  	v0 =	vadd.f32 v27, v0;
	v1 =	vadd.f32 v23, v1;
	_ =	sdelay $0x1  }
0x74: {  	v0 =	vmul.f32 v52, v0;
	v1 =	vmul.f32 v52, v1  }
0x75: {  	s8 =	simm.s32 $0x1  }
0x76: {  	v24 =	vmov s8;
	v31 =	vadd.f32 v22, v0;
	v35 =	vadd.f32 v26, v1  }
0x77: {  	v22 =	vor.u32 $0x80, v24  }
0x78: {  	v23 =	vsub.f32 v31, v35;
	_ =	sdelay $0x1  }
0x79: {  	v23 =	vand.u32 $0x7FFFFFFF, v23  }
0x7a: {  	v26 =	vld.idx.msk [tilespmem:v24+s9+$0x0], $0xffff;
	v23 =	vsub.f32 $0.0e+00, v23  }
0x7b: {  	v22 =	vld.idx.msk [tilespmem:v22+s9+$0x0], $0xffff  }
0x7c: {  	v23 =	vmul.f32 $1.442695020e+00, v23;
	_ =	sdelay $0x1  }
0x7d: {  	(erf) = vpow2.f32 v23  }
0x7e: {  	s3 =	simm.s32 $0x2  }
0x7f: {  	v29 =	vadd.f32 v26, v0;
	v23 =	vmov s3;
	v30 =	vadd.f32 v22, v1  }
0x80: {  	v22 =	vor.u32 $0x80, v23  }
0x81: {  	v26 =	vsub.f32 v29, v30;
	_ =	sdelay $0x1  }
0x82: {  	v26 =	vand.u32 $0x7FFFFFFF, v26  }
0x83: {  	v27 =	vld.idx.msk [tilespmem:v23+s9+$0x0], $0xffff;
	v26 =	vsub.f32 $0.0e+00, v26  }
0x84: {  	v28 =	vld.idx.msk [tilespmem:v22+s9+$0x0], $0xffff  }
0x85: {  	v22 =	vmul.f32 $1.442695020e+00, v26;
	v57 =	vpop (erf)  }
0x86: {  	v26 =	vadd.f32 $2.000000000e+00, v57  }
0x87: {  	(erf) = vpow2.f32 v22  }
0x88: {  	(erf) = vrcp.f32 v26  }
0x89: {  	s7 =	simm.s32 $0x3;
	v26 =	vadd.f32 v27, v0;
	v27 =	vadd.f32 v28, v1  }
0x8a: {  	v22 =	vmov s7  }
0x8b: {  	v28 =	vor.u32 $0x80, v22;
	v58 =	vsub.f32 v26, v27;
	_ =	sdelay $0x1  }
0x8c: {  	v36 =	vand.u32 $0x7FFFFFFF, v58  }
0x8d: {  	v36 =	vsub.f32 $0.0e+00, v36  }
0x8e: {  	v59 =	vld.idx.msk [tilespmem:v22+s9+$0x0], $0xffff  }
0x8f: {  	v60 =	vmul.f32 v15, v25;
	v28 =	vld.idx.msk [tilespmem:v28+s9+$0x0], $0xffff;
	v36 =	vmul.f32 $1.442695020e+00, v36;
	v61 =	vpop (erf)  }
0x90: {  	v63 =	vmul.f32 v19, v25;
	v62 =	vmul.f32 v12, v16;
	v45 =	vadd.f32 $2.000000000e+00, v61;
	v12 =	vpop (erf)  }
0x91: {  	(erf) = vpow2.f32 v36;
	v46 =	vmul.f32 v12, v57  }
0x92: {  	s4 =	simm.s32 $0x4;
	v15 =	vmul.f32 v15, v56;
	(erf) = vrcp.f32 v45  }
0x93: {  	v47 =	vmul.f32 v9, v25;
	v12 =	vmov s4;
	v48 =	vmul.f32 v46, v46  }
0x94: {  	v25 =	vadd.f32 v59, v0;
	v28 =	vadd.f32 v28, v1;
	v49 =	vor.u32 $0x80, v12  }
0x95: {  	v6 =	vadd.f32 v60, v6;
	v19 =	vmul.f32 v19, v56;
	v51 =	vmul.f32 $1.428571490e-01, v48  }
0x96: {  	v9 =	vmul.f32 v9, v56;
	v18 =	vadd.f32 v47, v18;
	v50 =	vsub.f32 v25, v28  }
0x97: {  	v19 =	vadd.f32 v19, v17;
	v16 =	vmul.f32 v3, v16;
	v52 =	vadd.f32 $2.000000030e-01, v51  }
0x98: {  	v3 =	vadd.f32 v62, v6;
	v9 =	vadd.f32 v9, v13;
	v13 =	vand.u32 $0x7FFFFFFF, v50;
	v6 =	vld.idx.msk [tilespmem:v12+s9+$0x0], $0xffff  }
0x99: {  	v17 =	vadd.f32 v15, v7;
	v13 =	vsub.f32 $0.0e+00, v13;
	v15 =	vld.idx.msk [tilespmem:v49+s9+$0x0], $0xffff;
	v53 =	vmul.f32 v52, v48  }
0x9a: {  	v21 =	vadd.f32 v63, v21;
	v7 =	vadd.f32 v14, v18;
	v18 =	vpop (erf)  }
0x9b: {  	v13 =	vmul.f32 $1.442695020e+00, v13;
	v14 =	vpop (erf);
	v55 =	vadd.f32 $3.333333430e-01, v53  }
0x9c: {  	v9 =	vadd.f32 v5, v9;
	v5 =	vadd.f32 v16, v21;
	v32 =	vmul.f32 v14, v61  }
0x9d: {  	v54 =	vadd.f32 $2.000000000e+00, v18;
	(erf) = vpow2.f32 v13;
	v13 =	vmul.f32 v55, v48  }
0x9e: {  	s10 =	simm.s32 $0xFFFFFFFF;
	v16 =	vadd.f32 v6, v0;
	v15 =	vadd.f32 v15, v1;
	v56 =	vmul.f32 v32, v32  }
0x9f: {  	v60 =	vmov s10;
	v6 =	vadd.f32 v2, v19;
	v2 =	vmul.f32 v13, v46  }
0xa0: {  	s5 =	simm.s32 $0x5;
	(erf) = vrcp.f32 v54;
	v19 =	vsub.f32 v16, v15;
	v21 =	vmul.f32 $1.428571490e-01, v56  }
0xa1: {  	v17 =	vadd.f32 v10, v17;
	v14 =	vmov s5;
	v2 =	vadd.f32 v2, v46  }
0xa2: {  	v57 =	vor.u32 $0x80, v14;
	v19 =	vand.u32 $0x7FFFFFFF, v19;
	v21 =	vadd.f32 $2.000000030e-01, v21  }
0xa3: {  	v10 =	vlaneseq.u32;
	v59 =	vsub.f32 $0.0e+00, v19;
	v2 =	vadd.f32 v2, v2  }
0xa4: {  	vm1 =	veq.s32 v60, v10;
	v61 =	vmax.f32 v31, v35;
	v21 =	vmul.f32 v21, v56  }
0xa5: {  	vm0 =	vgt.u32 v33, v10;
	v33 =	vmul.f32 $1.442695020e+00, v59;
	v40 =	vadd.f32 v2, v61  }
0xa6: {  	v58 =	vld.idx.msk [tilespmem:v14+s9+$0x0], $0xffff;
	v63 =	vadd.f32 $3.333333430e-01, v21;
	v21 =	vsel vm1, v35, v31  }
0xa7: {  	v34 =	vpop (erf);
	(erf) = vpow2.f32 v33;
	v33 =	vsub.f32 v21, v40;
	v21 =	vld.idx.msk [tilespmem:v57+s9+$0x0], $0xffff  }
0xa8: {  	s6 =	simm.s32 $0x6  }
0xa9: {  	v13 =	vmov s6;
	v62 =	vadd.f32 $2.000000000e+00, v34;
	v2 =	vpop (erf)  }
0xaa: {  	v19 =	vor.u32 $0x80, v13;
	v2 =	vmul.f32 v2, v18  }
0xab: {  	s10 =	simm.s32 $0x7;
	(erf) = vrcp.f32 v62;
	v35 =	vmul.f32 v63, v56;
	v18 =	vadd.f32 v58, v0  }
.LBB2_3:
0xac: {  	p0 =	sne.s32 s10, $0xF;
	v31 =	vadd.f32 v21, v1;
	v36 =	vmul.f32 v2, v2;
	v21 =	vnsel vm0, $0x0, v33;
	v33 =	vmovc v34;
	v37 =	vmovc v29  }
0xad: {  	v29 =	vmovc v26;
	v26 =	vmovc v25;
	v25 =	vmov v16;
	v34 =	vmul.f32 v35, v32;
	v20 =	vadd.f32 v21, v20  }
0xae: {  	v16 =	vmov v18;
	v21 =	vsub.f32 v18, v31;
	v35 =	vmul.f32 $1.428571490e-01, v36  }
0xaf: {  	v18 =	vmov s10;
	v34 =	vadd.f32 v34, v32;
	v32 =	vmov v2  }
0xb0: {  	s11 =	sadd.s32 $0xFFFFFFFF, s8;
	vm0 =	vgt.u32 v24, v10;
	v24 =	vmovc v23;
	v23 =	vmovc v22;
	s8 =	smov.u32 s3;
	s3 =	smov.u32 s7;
	v38 =	vld.idx.msk [tilespmem:v13+s9+$0x0], $0xffff;
	v2 =	vand.u32 $0x7FFFFFFF, v21;
	v35 =	vadd.f32 $2.000000030e-01, v35  }
0xb1: {  	v22 =	vmovc v12;
	v12 =	vmovc v14;
	s7 =	smov.u32 s4;
	s4 =	smov.u32 s5;
	s5 =	smov.u32 s6;
	v40 =	vmov s11;
	v21 =	vld.idx.msk [tilespmem:v19+s9+$0x0], $0xffff;
	v2 =	vsub.f32 $0.0e+00, v2;
	v39 =	vadd.f32 v34, v34  }
.Ltmp1:
0xb2: {  	v14 =	vmovc v13;
	s6 =	smov.u32 s10;
	v41 =	vmax.f32 v37, v30;
	v13 =	vmovc v18;
	v19 =	vor.u32 $0x80, v18;
	v35 =	vmul.f32 v35, v36;
	(pc) =	sbr.rel @p0 .LBB2_3-.Ltmp1, $4  }
0xb3: {  	vm1 =	veq.s32 v40, v10;
	v2 =	vmul.f32 $1.442695020e+00, v2;
	v34 =	vpop (erf);
	v18 =	vadd.f32 v39, v41  }
0xb4: {  	v37 =	vsel vm1, v30, v37;
	v39 =	vadd.f32 $2.000000000e+00, v34;
	v40 =	vpop (erf);
	v35 =	vadd.f32 $3.333333430e-01, v35  }
0xb5: {  	v30 =	vmovc v27;
	v27 =	vmovc v28;
	(erf) = vpow2.f32 v2;
	v2 =	vmul.f32 v40, v33;
	v33 =	vsub.f32 v37, v18  }
0xb6: {  	s10 =	sadd.s32 $0x1, s10;
	v28 =	vmovc v15;
	v15 =	vmovc v31;
	v18 =	vadd.f32 v38, v0;
	(erf) = vrcp.f32 v39;
	v35 =	vmul.f32 v35, v36  }
0xb7: {  	_ =	sdelay $0x1  }
0xb8: {  	v31 =	vadd.f32 v21, v1;
	_ =	sdelay $0x1  }
0xb9: {  	v21 =	vld.idx.msk [tilespmem:v13+s9+$0x0], $0xffff;
	v36 =	vsub.f32 v18, v31  }
0xba: {  	v37 =	vld.idx.msk [tilespmem:v19+s9+$0x0], $0xffff  }
0xbb: {  	v19 =	vand.u32 $0x7FFFFFFF, v36  }
0xbc: {  	v19 =	vsub.f32 $0.0e+00, v19;
	_ =	sdelay $0x1  }
0xbd: {  	v63 =	vmul.f32 v2, v2;
	v38 =	vmul.f32 $1.442695020e+00, v19;
	v19 =	vadd.f32 v21, v0;
	v39 =	vpop (erf)  }
0xbe: {  	v21 =	vadd.f32 v37, v1;
	v40 =	vadd.f32 $2.000000000e+00, v39  }
0xbf: {  	v44 =	vmul.f32 $1.428571490e-01, v63;
	(erf) = vpow2.f32 v38  }
0xc0: {  	v45 =	vsub.f32 v19, v21;
	(erf) = vrcp.f32 v40  }
0xc1: {  	v37 =	vadd.f32 $2.000000030e-01, v44;
	v41 =	vpop (erf)  }
0xc2: {  	v34 =	vmul.f32 v41, v34;
	v38 =	vand.u32 $0x7FFFFFFF, v45  }
0xc3: {  	v35 =	vmul.f32 v35, v32;
	v37 =	vmul.f32 v37, v63;
	v38 =	vsub.f32 $0.0e+00, v38  }
0xc4: {  	v46 =	vmul.f32 v34, v34  }
0xc5: {  	s8 =	sadd.s32 $0xFFFFFFFF, s8;
	v32 =	vadd.f32 v35, v32;
	v47 =	vadd.f32 $3.333333430e-01, v37;
	v38 =	vmul.f32 $1.442695020e+00, v38  }
0xc6: {  	v49 =	vmov s8;
	v48 =	vmul.f32 $1.428571490e-01, v46  }
0xc7: {  	v32 =	vadd.f32 v32, v32;
	v35 =	vmul.f32 v47, v63;
	(erf) = vpow2.f32 v38  }
0xc8: {  	v50 =	vmax.f32 v29, v30;
	vm1 =	veq.s32 v49, v10;
	v51 =	vadd.f32 $2.000000030e-01, v48;
	v52 =	vpop (erf)  }
0xc9: {  	v29 =	vsel vm1, v30, v29;
	v32 =	vadd.f32 v32, v50;
	v30 =	vmul.f32 v35, v2;
	v55 =	vpop (erf)  }
0xca: {  	v33 =	vnsel vm0, $0x0, v33;
	v54 =	vmul.f32 v51, v46;
	v56 =	vmul.f32 v55, v39  }
0xcb: {  	vm0 =	vgt.u32 v24, v10;
	v29 =	vsub.f32 v29, v32;
	v53 =	vadd.f32 $2.000000000e+00, v52  }
0xcc: {  	v2 =	vadd.f32 v30, v2;
	v30 =	vadd.f32 $3.333333430e-01, v54;
	v24 =	vmul.f32 v56, v56  }
0xcd: {  	s23 =	simm.s32 $0x10;
	v58 =	vmax.f32 v26, v27;
	v57 =	vnsel vm0, $0x0, v29;
	(erf) = vrcp.f32 v53  }
0xce: {  	v29 =	vmov s23;
	v30 =	vmul.f32 v30, v46;
	v59 =	vmul.f32 $1.428571490e-01, v24  }
0xcf: {  	s3 =	sadd.s32 $0xFFFFFFFF, s3;
	v42 =	vmax.f32 v25, v28;
	v62 =	vor.u32 $0x80, v29;
	v2 =	vadd.f32 v2, v2  }
0xd0: {  	v63 =	vmov s3;
	v30 =	vmul.f32 v30, v34;
	v60 =	vpop (erf);
	v36 =	vadd.f32 $2.000000030e-01, v59  }
0xd1: {  	vm0 =	veq.s32 v63, v10;
	v2 =	vadd.f32 v2, v58;
	v61 =	vadd.f32 $2.000000000e+00, v60  }
0xd2: {  	v26 =	vsel vm0, v27, v26;
	v30 =	vadd.f32 v30, v34;
	v27 =	vmul.f32 v36, v24  }
0xd3: {  	v20 =	vadd.f32 v33, v20;
	s3 =	simm.s32 $0x8D00;
	v2 =	vsub.f32 v26, v2;
	(erf) = vrcp.f32 v61  }
0xd4: {  	s7 =	sadd.s32 $0xFFFFFFFF, s7;
	vm0 =	vgt.u32 v23, v10;
	v43 =	vld.idx.msk [tilespmem:v62+s3+$0x0], $0xffff;
	v23 =	vadd.f32 v30, v30;
	v27 =	vadd.f32 $3.333333430e-01, v27  }
0xd5: {  	v44 =	vmov s7;
	v20 =	vadd.f32 v57, v20;
	v2 =	vnsel vm0, $0x0, v2;
	v30 =	vld.idx.msk [tilespmem:v29+s3+$0x0], $0xffff  }
0xd6: {  	vm0 =	veq.s32 v44, v10;
	v23 =	vadd.f32 v23, v42;
	v26 =	vpop (erf);
	v24 =	vmul.f32 v27, v24  }
0xd7: {  	v20 =	vadd.f32 v2, v20;
	v2 =	vsel vm0, v28, v25;
	v26 =	vmul.f32 v26, v52  }
0xd8: {  	v23 =	vsub.f32 v2, v23;
	v2 =	vmul.f32 v24, v56  }
0xd9: {  	v27 =	vmul.f32 v26, v26  }
0xda: {  	s4 =	sadd.s32 $0xFFFFFFFF, s4;
	v28 =	vadd.f32 v43, v1;
	v25 =	vadd.f32 v30, v0  }
0xdb: {  	v50 =	vmax.f32 v16, v15;
	v47 =	vmov s4;
	v24 =	vmul.f32 $1.428571490e-01, v27  }
0xdc: {  	vm0 =	veq.s32 v47, v10;
	v46 =	vsub.f32 v25, v28;
	v32 =	vadd.f32 v2, v56;
	v2 =	vpop (erf)  }
0xdd: {  	v15 =	vsel vm0, v15, v16;
	v24 =	vadd.f32 $2.000000030e-01, v24;
	v45 =	vmul.f32 v2, v60  }
0xde: {  	v2 =	vmul.f32 v11, v3;
	v3 =	vmul.f32 v11, v17;
	v11 =	vand.u32 $0x7FFFFFFF, v46  }
0xdf: {  	vm0 =	vgt.u32 v22, v10;
	v24 =	vmul.f32 v24, v27;
	v35 =	vsub.f32 $0.0e+00, v11  }
0xe0: {  	s24 =	simm.s32 $0x11;
	v17 =	vmul.f32 v45, v45;
	v30 =	vadd.f32 v30, v2;
	v34 =	vadd.f32 v43, v3  }
0xe1: {  	v32 =	vadd.f32 v32, v32;
	v11 =	vmov s24;
	v24 =	vadd.f32 $3.333333430e-01, v24  }
0xe2: {  	v35 =	vmul.f32 $1.442695020e+00, v35;
	v48 =	vmul.f32 $1.428571490e-01, v17;
	v49 =	vsub.f32 v30, v34  }
0xe3: {  	v32 =	vadd.f32 v32, v50;
	v24 =	vmul.f32 v24, v27;
	v27 =	vor.u32 $0x80, v11  }
0xe4: {  	(erf) = vpow2.f32 v35;
	v37 =	vadd.f32 $2.000000030e-01, v48;
	v38 =	vand.u32 $0x7FFFFFFF, v49  }
0xe5: {  	v23 =	vnsel vm0, $0x0, v23;
	v51 =	vsub.f32 $0.0e+00, v38  }
0xe6: {  	v15 =	vsub.f32 v15, v32;
	v16 =	vmul.f32 v24, v26;
	v24 =	vmul.f32 v37, v17  }
0xe7: {  	vm0 =	vgt.u32 v12, v10;
	v20 =	vadd.f32 v23, v20;
	v52 =	vld.idx.msk [tilespmem:v11+s3+$0x0], $0xffff;
	v22 =	vmul.f32 $1.442695020e+00, v51  }
0xe8: {  	s25 =	sadd.s32 $0xFFFFFFFF, s5;
	v12 =	vnsel vm0, $0x0, v15;
	v16 =	vadd.f32 v16, v26;
	v26 =	vld.idx.msk [tilespmem:v27+s3+$0x0], $0xffff;
	v24 =	vadd.f32 $3.333333430e-01, v24  }
0xe9: {  	v12 =	vadd.f32 v12, v20;
	v20 =	vmov s25;
	(erf) = vpow2.f32 v22  }
0xea: {  	v15 =	vadd.f32 v16, v16;
	v16 =	vmul.f32 v24, v17;
	v17 =	vmax.f32 v18, v31  }
0xeb: {  	vm0 =	veq.s32 v20, v10  }
0xec: {  	v22 =	vadd.f32 v52, v0;
	v27 =	vadd.f32 v52, v2;
	v18 =	vsel vm0, v31, v18  }
0xed: {  	v15 =	vadd.f32 v15, v17;
	v16 =	vmul.f32 v16, v45;
	v23 =	vadd.f32 v26, v1;
	v17 =	vpop (erf)  }
0xee: {  	s26 =	sadd.s32 $0xFFFFFFFF, s6;
	vm0 =	vgt.u32 v14, v10;
	v31 =	vadd.f32 v26, v3;
	v20 =	vadd.f32 $2.000000000e+00, v17  }
0xef: {  	v15 =	vsub.f32 v18, v15;
	v18 =	vmov s26;
	v16 =	vadd.f32 v16, v45  }
0xf0: {  	v14 =	vsub.f32 v22, v23;
	vm1 =	veq.s32 v18, v10;
	(erf) = vrcp.f32 v20  }
0xf1: {  	v26 =	vsub.f32 v27, v31;
	v15 =	vnsel vm0, $0x0, v15;
	v16 =	vadd.f32 v16, v16  }
0xf2: {  	s28 =	simm.s32 $0x12;
	v14 =	vand.u32 $0x7FFFFFFF, v14;
	v20 =	vmax.f32 v19, v21;
	v19 =	vsel vm1, v21, v19;
	v18 =	vpop (erf)  }
0xf3: {  	v24 =	vsub.f32 $0.0e+00, v14;
	v14 =	vmov s28;
	v53 =	vadd.f32 $2.000000000e+00, v18  }
0xf4: {  	v12 =	vadd.f32 v15, v12;
	v16 =	vadd.f32 v16, v20;
	v21 =	vor.u32 $0x80, v14  }
0xf5: {  	v20 =	vmul.f32 $1.442695020e+00, v24;
	v24 =	vand.u32 $0x7FFFFFFF, v26;
	(erf) = vrcp.f32 v53  }
0xf6: {  	v16 =	vsub.f32 v19, v16;
	v19 =	vsub.f32 $0.0e+00, v24  }
0xf7: {  	vm0 =	vgt.u32 v13, v10;
	(erf) = vpow2.f32 v20  }
0xf8: {  	s29 =	simm.s32 $0xF;
	v55 =	vmax.f32 v25, v28;
	v10 =	vnsel vm0, $0x0, v16;
	v13 =	vmul.f32 $1.442695020e+00, v19;
	v15 =	vld.idx.msk [tilespmem:v14+s3+$0x0], $0xffff  }
0xf9: {  	v16 =	vmov s29;
	v20 =	vadd.f32 v10, v12;
	v10 =	vlaneseq.u32;
	v12 =	vpop (erf)  }
0xfa: {  	s30 =	simm.s32 $0x10;
	v21 =	vld.idx.msk [tilespmem:v21+s3+$0x0], $0xffff;
	vm0 =	veq.s32 v16, v10;
	(erf) = vpow2.f32 v13;
	v54 =	vmul.f32 v12, v17  }
0xfb: {  	v26 =	vsel vm0, v28, v25;
	v13 =	vmov s30;
	v25 =	vmax.f32 v30, v34  }
0xfc: {  	v12 =	vor.u32 $0x10, v10;
	v17 =	vmax.f32 v22, v23;
	v28 =	vmul.f32 v54, v54  }
0xfd: {  	vm0 =	veq.s32 v16, v12;
	v56 =	vadd.f32 v15, v0;
	v60 =	vadd.f32 v15, v2  }
0xfe: {  	v24 =	vsel vm0, v34, v30;
	vm0 =	veq.s32 v13, v10;
	v19 =	vpop (erf);
	v30 =	vmul.f32 $1.428571490e-01, v28  }
0xff: {  	v57 =	vadd.f32 v21, v1;
	v62 =	vadd.f32 v21, v3;
	v58 =	vmul.f32 v19, v18  }
0x100: {  	v16 =	vsel vm0, v23, v22;
	vm0 =	veq.s32 v13, v12;
	v59 =	vpop (erf);
	v22 =	vadd.f32 $2.000000030e-01, v30  }
0x101: {  	v13 =	vsub.f32 v60, v62;
	v15 =	vadd.f32 $2.000000000e+00, v59;
	v61 =	vmul.f32 v58, v58  }
0x102: {  	v18 =	vsub.f32 v56, v57;
	v21 =	vmul.f32 v22, v28  }
0x103: {  	v13 =	vand.u32 $0x7FFFFFFF, v13;
	v42 =	vpop (erf);
	(erf) = vrcp.f32 v15;
	v22 =	vmul.f32 $1.428571490e-01, v61  }
0x104: {  	s4 =	simm.s32 $0x13;
	v18 =	vand.u32 $0x7FFFFFFF, v18;
	v13 =	vsub.f32 $0.0e+00, v13;
	v23 =	vadd.f32 $2.000000000e+00, v42  }
0x105: {  	v18 =	vsub.f32 $0.0e+00, v18;
	v15 =	vmov s4;
	v22 =	vadd.f32 $2.000000030e-01, v22  }
0x106: {  	v30 =	vor.u32 $0x80, v15;
	v21 =	vadd.f32 $3.333333430e-01, v21;
	(erf) = vrcp.f32 v23  }
0x107: {  	v19 =	vmax.f32 v27, v31;
	v18 =	vmul.f32 $1.442695020e+00, v18;
	v22 =	vmul.f32 v22, v61  }
0x108: {  	s31 =	simm.s32 $0x11;
	v23 =	vsel vm0, v31, v27;
	v21 =	vmul.f32 v21, v28;
	v28 =	vmul.f32 $1.442695020e+00, v13  }
0x109: {  	v27 =	vmov s31;
	(erf) = vpow2.f32 v18;
	v22 =	vadd.f32 $3.333333430e-01, v22  }
0x10a: {  	vm1 =	vgt.u32 v29, v10;
	v34 =	vld.idx.msk [tilespmem:v15+s3+$0x0], $0xffff;
	v21 =	vmul.f32 v21, v54;
	(erf) = vpow2.f32 v28  }
0x10b: {  	v13 =	vmax.f32 v56, v57;
	vm0 =	veq.s32 v27, v10;
	v30 =	vld.idx.msk [tilespmem:v30+s3+$0x0], $0xffff;
	v31 =	vmul.f32 v22, v61  }
0x10c: {  	v18 =	vadd.f32 v21, v54;
	v22 =	vsel vm0, v57, v56;
	vm0 =	veq.s32 v27, v12;
	v27 =	vpop (erf)  }
0x10d: {  	v21 =	vmax.f32 v60, v62;
	v28 =	vmul.f32 v27, v59;
	v27 =	vmul.f32 v31, v58  }
0x10e: {  	v63 =	vadd.f32 v18, v18;
	v18 =	vsel vm0, v62, v60;
	vm0 =	vgt.u32 v29, v12  }
0x10f: {  	v31 =	vadd.f32 v34, v0;
	v33 =	vmul.f32 v28, v28;
	v29 =	vpop (erf);
	v36 =	vadd.f32 v27, v58  }
0x110: {  	s5 =	simm.s32 $0x14;
	v32 =	vadd.f32 v30, v1;
	v35 =	vadd.f32 v63, v55;
	v27 =	vmul.f32 v29, v42  }
.LBB2_5:
0x111: {  	p0 =	sne.s32 s5, $0x1F;
	v29 =	vadd.f32 v34, v2;
	v34 =	vmul.f32 $1.428571490e-01, v33;
	v36 =	vadd.f32 v36, v36;
	v37 =	vmovc v13;
	v38 =	vmovc v14;
	s6 =	smov.u32 s5;
	s5 =	sadd.s32 $0x1, s5  }
0x112: {  	v44 =	vsub.f32 v31, v32;
	v39 =	vpop (erf);
	v40 =	vmul.f32 v27, v27;
	v35 =	vsub.f32 v26, v35  }
0x113: {  	v41 =	vadd.f32 v30, v3;
	v13 =	vmax.f32 v31, v32;
	v42 =	vpop (erf);
	v30 =	vadd.f32 $2.000000030e-01, v34  }
0x114: {  	v14 =	vmovc v15;
	v26 =	vmovc v16;
	v43 =	vadd.f32 $2.000000000e+00, v39;
	v36 =	vadd.f32 v36, v25;
	v34 =	vand.u32 $0x7FFFFFFF, v44  }
0x115: {  	v16 =	vmovc v22;
	v25 =	vmovc v19;
	v44 =	vsub.f32 v29, v41;
	v34 =	vsub.f32 $0.0e+00, v34;
	v30 =	vmul.f32 v30, v33  }
0x116: {  	v19 =	vmovc v21;
	v22 =	vadd.f32 $2.000000000e+00, v42;
	(erf) = vrcp.f32 v43;
	v43 =	vmul.f32 $1.428571490e-01, v40  }
0x117: {  	s7 =	sadd.s32 $0xFFFFFFFF, s4;
	v15 =	vmov s6;
	s4 =	smov.u32 s6;
	v21 =	vmul.f32 $1.442695020e+00, v34;
	v30 =	vadd.f32 $3.333333430e-01, v30  }
0x118: {  	v45 =	vor.u32 $0x80, v15;
	v34 =	vand.u32 $0x7FFFFFFF, v44;
	v43 =	vadd.f32 $2.000000030e-01, v43  }
0x119: {  	v44 =	vmov s7;
	v34 =	vsub.f32 $0.0e+00, v34;
	(erf) = vrcp.f32 v22  }
0x11a: {  	v22 =	vmul.f32 v30, v33;
	v33 =	vsub.f32 v24, v36;
	v24 =	vmovc v23;
	v30 =	vmul.f32 v43, v40  }
0x11b: {  	v35 =	vnsel vm1, $0x0, v35;
	vm2 =	veq.s32 v44, v10;
	v23 =	vmovc v18;
	v36 =	vmul.f32 $1.442695020e+00, v34  }
0x11c: {  	v18 =	vmul.f32 v22, v28;
	v34 =	vld.idx.msk [tilespmem:v15+s3+$0x0], $0xffff;
	(erf) = vpow2.f32 v21;
	v21 =	vadd.f32 $3.333333430e-01, v30  }
0x11d: {  	v20 =	vadd.f32 v35, v20;
	v33 =	vnsel vm0, $0x0, v33;
	v30 =	vld.idx.msk [tilespmem:v45+s3+$0x0], $0xffff;
	(erf) = vpow2.f32 v36  }
0x11e: {  	v22 =	vsel vm2, v32, v31;
	v18 =	vadd.f32 v18, v28;
	v31 =	vmul.f32 v21, v40  }
.Ltmp2:
0x11f: {  	vm0 =	veq.s32 v44, v12;
	v20 =	vadd.f32 v20, v33;
	v21 =	vmax.f32 v29, v41;
	v28 =	vpop (erf);
	(pc) =	sbr.rel @p0 .LBB2_5-.Ltmp2, $4  }
0x120: {  	v35 =	vadd.f32 v18, v18;
	v28 =	vmul.f32 v28, v39;
	v32 =	vmul.f32 v31, v27  }
0x121: {  	vm1 =	vgt.u32 v11, v10;
	v18 =	vsel vm0, v41, v29;
	vm0 =	vgt.u32 v11, v12;
	v11 =	vmovc v38  }
0x122: {  	v31 =	vadd.f32 v34, v0;
	v33 =	vmul.f32 v28, v28;
	v29 =	vpop (erf);
	v36 =	vadd.f32 v32, v27  }
0x123: {  	v35 =	vadd.f32 v35, v17;
	v17 =	vmovc v37;
	v32 =	vadd.f32 v30, v1;
	v27 =	vmul.f32 v29, v42  }
0x124: {  	_ = 	snop  }
0x125: {  	v29 =	vadd.f32 v34, v2;
	v55 =	vpop (erf)  }
0x126: {  	v37 =	vsub.f32 v31, v32;
	v39 =	vadd.f32 $2.000000000e+00, v55  }
0x127: {  	v30 =	vadd.f32 v30, v3;
	v58 =	vmul.f32 $1.428571490e-01, v33;
	v59 =	vmul.f32 v27, v27;
	v38 =	vpop (erf)  }
0x128: {  	v37 =	vand.u32 $0x7FFFFFFF, v37;
	v40 =	vadd.f32 $2.000000000e+00, v38;
	(erf) = vrcp.f32 v39  }
0x129: {  	v61 =	vmul.f32 $1.428571490e-01, v59;
	v37 =	vsub.f32 $0.0e+00, v37;
	v39 =	vadd.f32 $2.000000030e-01, v58  }
0x12a: {  	v36 =	vadd.f32 v36, v36;
	v56 =	vsub.f32 v29, v30;
	(erf) = vrcp.f32 v40  }
0x12b: {  	v37 =	vmul.f32 $1.442695020e+00, v37;
	v60 =	vmul.f32 v39, v33;
	v39 =	vadd.f32 $2.000000030e-01, v61  }
0x12c: {  	v25 =	vadd.f32 v36, v25;
	v57 =	vand.u32 $0x7FFFFFFF, v56  }
0x12d: {  	(erf) = vpow2.f32 v37;
	v37 =	vsub.f32 $0.0e+00, v57;
	v45 =	vmul.f32 v39, v59;
	_ =	sdelay $0x1  }
0x12e: {  	v24 =	vsub.f32 v24, v25;
	v37 =	vmul.f32 $1.442695020e+00, v37;
	v25 =	vadd.f32 $3.333333430e-01, v45  }
0x12f: {  	v26 =	vsub.f32 v26, v35  }
0x130: {  	(erf) = vpow2.f32 v37;
	v37 =	vadd.f32 $3.333333430e-01, v60;
	v25 =	vmul.f32 v25, v59;
	v41 =	vpop (erf)  }
0x131: {  	v26 =	vnsel vm1, $0x0, v26;
	v34 =	vmul.f32 v41, v55  }
0x132: {  	v20 =	vadd.f32 v26, v20;
	v62 =	vpop (erf);
	v44 =	vmul.f32 v37, v33;
	v25 =	vmul.f32 v25, v27  }
0x133: {  	v24 =	vnsel vm0, $0x0, v24;
	v50 =	vmul.f32 v62, v38;
	v47 =	vmul.f32 v34, v34  }
0x134: {  	v20 =	vadd.f32 v20, v24;
	v33 =	vmul.f32 v44, v28  }
0x135: {  	v25 =	vadd.f32 v25, v27;
	v42 =	vpop (erf);
	v27 =	vmul.f32 v50, v50;
	v26 =	vmul.f32 $1.428571490e-01, v47  }
0x136: {  	v63 =	vadd.f32 $2.000000000e+00, v42;
	v28 =	vadd.f32 v33, v28  }
0x137: {  	s25 =	simm.s32 $0x20;
	v24 =	vadd.f32 v25, v25;
	v25 =	vmul.f32 $1.428571490e-01, v27;
	v52 =	vadd.f32 $2.000000030e-01, v26  }
0x138: {  	(erf) = vrcp.f32 v63;
	v26 =	vmov s25;
	v28 =	vadd.f32 v28, v28  }
0x139: {  	v19 =	vadd.f32 v24, v19;
	v48 =	vpop (erf);
	v54 =	vor.u32 $0x80, v26;
	v53 =	vmul.f32 v52, v47  }
0x13a: {  	s3 =	sadd.s32 $0xFFFFFFFF, s4;
	v24 =	vadd.f32 $2.000000030e-01, v25;
	v49 =	vadd.f32 $2.000000000e+00, v48  }
0x13b: {  	v46 =	vmov s3;
	v17 =	vadd.f32 v28, v17;
	v28 =	vadd.f32 $3.333333430e-01, v53  }
0x13c: {  	s3 =	simm.s32 $0x8D00;
	vm1 =	vgt.u32 v11, v12;
	vm0 =	vgt.u32 v11, v10;
	(erf) = vrcp.f32 v49  }
0x13d: {  	v11 =	vmul.f32 v24, v27;
	v16 =	vsub.f32 v16, v17;
	v17 =	vmul.f32 v28, v47;
	v28 =	vld.idx.msk [tilespmem:v26+s3+$0x0], $0xffff  }
0x13e: {  	v19 =	vsub.f32 v23, v19;
	v23 =	vld.idx.msk [tilespmem:v54+s3+$0x0], $0xffff  }
0x13f: {  	v7 =	vmul.f32 v8, v7;
	v8 =	vmul.f32 v8, v9;
	v11 =	vadd.f32 $3.333333430e-01, v11  }
0x140: {  	v43 =	vmax.f32 v31, v32;
	v16 =	vnsel vm0, $0x0, v16;
	v17 =	vmul.f32 v17, v34  }
0x141: {  	vm2 =	veq.s32 v46, v10;
	v16 =	vadd.f32 v16, v20;
	v11 =	vmul.f32 v11, v27;
	v55 =	vpop (erf)  }
0x142: {  	v56 =	vmul.f32 v55, v42;
	v17 =	vadd.f32 v17, v34;
	v57 =	vadd.f32 v28, v0  }
0x143: {  	v11 =	vmul.f32 v11, v50;
	v58 =	vadd.f32 v23, v1;
	v59 =	vadd.f32 v23, v3  }
0x144: {  	v23 =	vadd.f32 v23, v8;
	v27 =	vadd.f32 v28, v7;
	v25 =	vmul.f32 v56, v56  }
0x145: {  	v51 =	vmax.f32 v29, v30;
	v28 =	vadd.f32 v28, v2;
	v11 =	vadd.f32 v11, v50;
	v20 =	vpop (erf)  }
0x146: {  	v17 =	vadd.f32 v17, v17;
	v24 =	vmul.f32 $1.428571490e-01, v25;
	v20 =	vmul.f32 v20, v48  }
0x147: {  	v19 =	vnsel vm1, $0x0, v19;
	v61 =	vsub.f32 v57, v58;
	v62 =	vsub.f32 v27, v23  }
0x148: {  	v63 =	vsub.f32 v28, v59;
	v24 =	vadd.f32 $2.000000030e-01, v24;
	v9 =	vmul.f32 v20, v20  }
0x149: {  	v11 =	vadd.f32 v11, v11;
	v13 =	vadd.f32 v17, v13;
	v40 =	vand.u32 $0x7FFFFFFF, v61  }
0x14a: {  	v41 =	vand.u32 $0x7FFFFFFF, v62;
	v60 =	vmul.f32 $1.428571490e-01, v9;
	v24 =	vmul.f32 v24, v25  }
0x14b: {  	vm0 =	vgt.u32 v14, v10;
	v40 =	vsub.f32 $0.0e+00, v40;
	v41 =	vsub.f32 $0.0e+00, v41  }
0x14c: {  	v42 =	vand.u32 $0x7FFFFFFF, v63;
	v38 =	vadd.f32 $2.000000030e-01, v60;
	v24 =	vadd.f32 $3.333333430e-01, v24  }
0x14d: {  	v42 =	vsub.f32 $0.0e+00, v42;
	v40 =	vmul.f32 $1.442695020e+00, v40;
	v41 =	vmul.f32 $1.442695020e+00, v41  }
0x14e: {  	s26 =	simm.s32 $0x21;
	v22 =	vsub.f32 v22, v13;
	v38 =	vmul.f32 v38, v9;
	v24 =	vmul.f32 v24, v25  }
0x14f: {  	v13 =	vmov s26;
	v44 =	vmul.f32 $1.442695020e+00, v42;
	(erf) = vpow2.f32 v40  }
0x150: {  	(erf) = vpow2.f32 v41;
	v25 =	vadd.f32 $3.333333430e-01, v38;
	v17 =	vmul.f32 v24, v56  }
0x151: {  	v16 =	vadd.f32 v16, v19;
	v11 =	vadd.f32 v11, v21;
	(erf) = vpow2.f32 v44  }
0x152: {  	v21 =	vor.u32 $0x80, v13;
	v9 =	vmul.f32 v25, v9;
	v17 =	vadd.f32 v17, v56  }
0x153: {  	v11 =	vsub.f32 v18, v11;
	v18 =	vnsel vm0, $0x0, v22;
	vm0 =	vgt.u32 v14, v12  }
0x154: {  	s29 =	simm.s32 $0x20;
	v14 =	vadd.f32 v18, v16;
	v18 =	vld.idx.msk [tilespmem:v13+s3+$0x0], $0xffff;
	v9 =	vmul.f32 v9, v20;
	v17 =	vadd.f32 v17, v17  }
0x155: {  	v31 =	vsel vm2, v32, v31;
	v45 =	vmov s29;
	vm1 =	veq.s32 v46, v12  }
0x156: {  	v11 =	vnsel vm0, $0x0, v11;
	v9 =	vadd.f32 v9, v20;
	v16 =	vadd.f32 v17, v43  }
0x157: {  	vm0 =	vgt.u32 v15, v10;
	v11 =	vadd.f32 v14, v11;
	v24 =	vmax.f32 v57, v58;
	v20 =	vld.idx.msk [tilespmem:v21+s3+$0x0], $0xffff  }
0x158: {  	v14 =	vpop (erf);
	v17 =	vsel vm1, v30, v29;
	v9 =	vadd.f32 v9, v9;
	v10 =	vsub.f32 v31, v16  }
0x159: {  	v22 =	vpop (erf);
	vm1 =	vgt.u32 v15, v12;
	v29 =	vadd.f32 v18, v0;
	v16 =	vadd.f32 $2.000000000e+00, v14  }
0x15a: {  	v12 =	vadd.f32 $2.000000000e+00, v22;
	v15 =	vpop (erf);
	v9 =	vadd.f32 v9, v51;
	v10 =	vnsel vm0, $0x0, v10  }
0x15b: {  	(erf) = vrcp.f32 v16;
	v16 =	vadd.f32 $2.000000000e+00, v15;
	v10 =	vadd.f32 v10, v11  }
0x15c: {  	s28 =	simm.s32 $0x1F;
	(erf) = vrcp.f32 v12;
	v30 =	vadd.f32 v20, v1;
	v12 =	vlaneseq.u32  }
0x15d: {  	v11 =	vmov s28;
	v9 =	vsub.f32 v17, v9;
	(erf) = vrcp.f32 v16  }
0x15e: {  	v31 =	vadd.f32 v18, v7;
	v25 =	vadd.f32 v20, v8;
	vm0 =	veq.s32 v11, v12  }
0x15f: {  	v19 =	vsub.f32 v29, v30;
	v17 =	vsel vm0, v58, v57;
	v9 =	vnsel vm1, $0x0, v9  }
0x160: {  	v16 =	vadd.f32 v10, v9;
	v10 =	vor.u32 $0x10, v12;
	v9 =	vor.u32 $0x20, v12  }
0x161: {  	vm1 =	veq.s32 v11, v10;
	vm0 =	veq.s32 v11, v9;
	v11 =	vand.u32 $0x7FFFFFFF, v19  }
0x162: {  	v46 =	vsub.f32 v31, v25;
	v19 =	vmax.f32 v27, v23;
	v21 =	vsub.f32 $0.0e+00, v11  }
0x163: {  	v11 =	vsel vm0, v23, v27;
	v23 =	vadd.f32 v20, v3;
	v27 =	vadd.f32 v18, v2  }
0x164: {  	vm4 =	vgt.u32 v26, v12;
	vm2 =	vgt.u32 v26, v9;
	v18 =	vpop (erf);
	v20 =	vmul.f32 $1.442695020e+00, v21  }
0x165: {  	v47 =	vsub.f32 v27, v23;
	v48 =	vpop (erf);
	v49 =	vmul.f32 v18, v14;
	v14 =	vand.u32 $0x7FFFFFFF, v46  }
0x166: {  	v21 =	vmax.f32 v28, v59;
	(erf) = vpow2.f32 v20;
	v18 =	vpop (erf);
	v14 =	vsub.f32 $0.0e+00, v14  }
0x167: {  	v20 =	vand.u32 $0x7FFFFFFF, v47;
	v52 =	vmul.f32 v48, v22;
	v50 =	vmul.f32 v18, v15  }
0x168: {  	v51 =	vmul.f32 v49, v49;
	v15 =	vsub.f32 $0.0e+00, v20;
	v14 =	vmul.f32 $1.442695020e+00, v14  }
0x169: {  	v20 =	vsel vm1, v59, v28;
	v53 =	vmul.f32 v52, v52;
	v28 =	vmul.f32 v50, v50  }
0x16a: {  	vm1 =	veq.s32 v45, v12;
	v15 =	vmul.f32 $1.442695020e+00, v15;
	(erf) = vpow2.f32 v14  }
0x16b: {  	v18 =	vsel vm1, v30, v29;
	v22 =	vmul.f32 $1.428571490e-01, v51;
	v54 =	vmul.f32 $1.428571490e-01, v28  }
0x16c: {  	s30 =	simm.s32 $0x22;
	vm1 =	veq.s32 v45, v9;
	v55 =	vmul.f32 $1.428571490e-01, v53;
	(erf) = vpow2.f32 v15  }
0x16d: {  	v15 =	vmov s30;
	v56 =	vadd.f32 $2.000000030e-01, v22;
	v34 =	vadd.f32 $2.000000030e-01, v54  }
0x16e: {  	v14 =	vmax.f32 v31, v25;
	v22 =	vsel vm1, v25, v31;
	v57 =	vor.u32 $0x80, v15  }
0x16f: {  	s31 =	simm.s32 $0x21;
	v31 =	vadd.f32 $2.000000030e-01, v55;
	v36 =	vmul.f32 v56, v51;
	v32 =	vpop (erf);
	v34 =	vmul.f32 v34, v28  }
0x170: {  	vm0 =	veq.s32 v45, v10;
	v59 =	vmov s31;
	v58 =	vadd.f32 $2.000000000e+00, v32  }
0x171: {  	v25 =	vmax.f32 v27, v23;
	v60 =	vmul.f32 v31, v53;
	v61 =	vadd.f32 $3.333333430e-01, v36  }
0x172: {  	v23 =	vsel vm0, v23, v27;
	v36 =	vld.idx.msk [tilespmem:v15+s3+$0x0], $0xffff;
	v44 =	vadd.f32 $3.333333430e-01, v34;
	(erf) = vrcp.f32 v58  }
0x173: {  	v31 =	vmax.f32 v29, v30;
	v27 =	vadd.f32 $3.333333430e-01, v60;
	v62 =	vld.idx.msk [tilespmem:v57+s3+$0x0], $0xffff;
	v29 =	vmul.f32 v61, v51;
	v34 =	vpop (erf)  }
0x174: {  	vm3 =	veq.s32 v59, v12;
	v28 =	vmul.f32 v44, v28;
	v30 =	vadd.f32 $2.000000000e+00, v34  }
0x175: {  	vm1 =	vgt.u32 v26, v10;
	v27 =	vmul.f32 v27, v53;
	v29 =	vmul.f32 v29, v49;
	v35 =	vpop (erf)  }
0x176: {  	v63 =	vadd.f32 $2.000000000e+00, v35;
	v28 =	vmul.f32 v28, v50;
	(erf) = vrcp.f32 v30  }
0x177: {  	v26 =	vadd.f32 v36, v0;
	v29 =	vadd.f32 v29, v49;
	v30 =	vmul.f32 v27, v52  }
0x178: {  	v27 =	vadd.f32 v62, v1;
	v33 =	vadd.f32 v62, v8;
	(erf) = vrcp.f32 v63  }
0x179: {  	vm0 =	veq.s32 v59, v10;
	v37 =	vadd.f32 v28, v50;
	v28 =	vadd.f32 v62, v3  }
0x17a: {  	v38 =	vadd.f32 v29, v29;
	v41 =	vsub.f32 v26, v27;
	v29 =	vsel vm3, v27, v26  }
0x17b: {  	s4 =	simm.s32 $0x23;
	v39 =	vadd.f32 v30, v52;
	v30 =	vadd.f32 v36, v2;
	vm3 =	veq.s32 v59, v9;
	v40 =	vpop (erf)  }
.LBB2_7:
0x17c: {  	p0 =	sne.s32 s4, $0x2F;
	v41 =	vand.u32 $0x7FFFFFFF, v41;
	v36 =	vadd.f32 v36, v7;
	v38 =	vadd.f32 v38, v24;
	v24 =	vmovc v31;
	s5 =	smov.u32 s4;
	s4 =	sadd.s32 $0x1, s4  }
0x17d: {  	v40 =	vmul.f32 v40, v32;
	v32 =	vadd.f32 v39, v39;
	v31 =	vsub.f32 $0.0e+00, v41  }
0x17e: {  	v39 =	vsub.f32 v30, v28;
	v41 =	vmax.f32 v36, v33;
	v38 =	vsub.f32 v17, v38;
	v17 =	vmovc v18  }
0x17f: {  	v37 =	vadd.f32 v37, v37;
	v44 =	vmul.f32 $1.442695020e+00, v31;
	v31 =	vsub.f32 v36, v33;
	v42 =	vpop (erf)  }
0x180: {  	v43 =	vmul.f32 v40, v40;
	v32 =	vadd.f32 v32, v19;
	v19 =	vmovc v14;
	v39 =	vand.u32 $0x7FFFFFFF, v39;
	v14 =	vmovc v41  }
0x181: {  	v38 =	vnsel vm4, $0x0, v38;
	v31 =	vand.u32 $0x7FFFFFFF, v31;
	(erf) = vpow2.f32 v44;
	v18 =	vpop (erf)  }
0x182: {  	v32 =	vsub.f32 v11, v32;
	v11 =	vmovc v22;
	v31 =	vsub.f32 $0.0e+00, v31;
	v41 =	vmul.f32 v18, v35;
	v18 =	vmovc v29  }
0x183: {  	v22 =	vsub.f32 $0.0e+00, v39;
	v39 =	vmul.f32 v42, v34;
	v29 =	vadd.f32 v37, v21;
	v21 =	vmovc v25  }
0x184: {  	v16 =	vadd.f32 v38, v16;
	v25 =	vmul.f32 $1.442695020e+00, v31;
	v35 =	vmul.f32 v41, v41  }
0x185: {  	v22 =	vmul.f32 $1.442695020e+00, v22;
	v37 =	vmul.f32 v39, v39;
	v29 =	vsub.f32 v20, v29;
	v20 =	vmovc v23  }
0x186: {  	v23 =	vmul.f32 $1.428571490e-01, v43;
	(erf) = vpow2.f32 v25;
	v25 =	vnsel vm2, $0x0, v32  }
0x187: {  	v29 =	vnsel vm1, $0x0, v29;
	(erf) = vpow2.f32 v22;
	v22 =	vmul.f32 $1.428571490e-01, v35  }
0x188: {  	v38 =	vmov s5;
	v31 =	vmul.f32 $1.428571490e-01, v37;
	v16 =	vadd.f32 v16, v29  }
0x189: {  	v23 =	vadd.f32 $2.000000030e-01, v23;
	v29 =	vor.u32 $0x80, v38;
	v34 =	vadd.f32 $2.000000030e-01, v22  }
0x18a: {  	v31 =	vadd.f32 $2.000000030e-01, v31;
	v22 =	vsel vm3, v33, v36;
	v16 =	vadd.f32 v16, v25;
	v32 =	vpop (erf)  }
0x18b: {  	s5 =	sadd.s32 $0xFFFFFFFF, s5;
	v23 =	vmul.f32 v23, v43;
	v33 =	vadd.f32 $2.000000000e+00, v32;
	v34 =	vmul.f32 v34, v35  }
0x18c: {  	v42 =	vmov s5;
	v44 =	vmul.f32 v31, v37;
	v25 =	vmax.f32 v30, v28  }
0x18d: {  	v36 =	vld.idx.msk [tilespmem:v38+s3+$0x0], $0xffff;
	(erf) = vrcp.f32 v33;
	v33 =	vadd.f32 $3.333333430e-01, v23;
	v45 =	vadd.f32 $3.333333430e-01, v34  }
0x18e: {  	v31 =	vmax.f32 v26, v27;
	v26 =	vadd.f32 $3.333333430e-01, v44;
	v23 =	vsel vm0, v28, v30;
	v46 =	vld.idx.msk [tilespmem:v29+s3+$0x0], $0xffff  }
0x18f: {  	vm1 =	vgt.u32 v13, v10;
	v34 =	vpop (erf);
	v27 =	vmul.f32 v33, v43;
	v28 =	vmul.f32 v45, v35  }
0x190: {  	vm2 =	vgt.u32 v13, v9;
	v30 =	vmul.f32 v26, v37;
	v29 =	vadd.f32 $2.000000000e+00, v34;
	v35 =	vpop (erf)  }
0x191: {  	v33 =	vadd.f32 $2.000000000e+00, v35;
	v27 =	vmul.f32 v27, v40;
	v28 =	vmul.f32 v28, v41  }
0x192: {  	vm4 =	vgt.u32 v13, v12;
	v13 =	vmovc v15;
	v15 =	vmovc v38;
	vm0 =	veq.s32 v42, v10;
	(erf) = vrcp.f32 v29  }
.Ltmp3:
0x193: {  	v30 =	vmul.f32 v30, v39;
	v26 =	vadd.f32 v36, v0;
	v29 =	vadd.f32 v27, v40;
	(pc) =	sbr.rel @p0 .LBB2_7-.Ltmp3, $4  }
0x194: {  	v27 =	vadd.f32 v46, v1;
	v37 =	vadd.f32 v28, v41;
	(erf) = vrcp.f32 v33  }
0x195: {  	vm3 =	veq.s32 v42, v12;
	v28 =	vadd.f32 v46, v3;
	v38 =	vadd.f32 v29, v29  }
0x196: {  	v39 =	vadd.f32 v30, v39;
	v41 =	vsub.f32 v26, v27;
	v29 =	vsel vm3, v27, v26;
	v40 =	vpop (erf)  }
0x197: {  	v30 =	vadd.f32 v36, v2;
	v33 =	vadd.f32 v46, v8;
	vm3 =	veq.s32 v42, v9  }
0x198: {  	v36 =	vadd.f32 v36, v7;
	_ =	sdelay $0x1  }
0x199: {  	v42 =	vsub.f32 v36, v33  }
0x19a: {  	v41 =	vand.u32 $0x7FFFFFFF, v41;
	v43 =	vsub.f32 v30, v28  }
0x19b: {  	v41 =	vsub.f32 $0.0e+00, v41;
	v42 =	vand.u32 $0x7FFFFFFF, v42  }
0x19c: {  	v43 =	vand.u32 $0x7FFFFFFF, v43;
	v42 =	vsub.f32 $0.0e+00, v42  }
0x19d: {  	v41 =	vmul.f32 $1.442695020e+00, v41;
	v43 =	vsub.f32 $0.0e+00, v43  }
0x19e: {  	v32 =	vmul.f32 v40, v32;
	v38 =	vadd.f32 v38, v24;
	v42 =	vmul.f32 $1.442695020e+00, v42  }
0x19f: {  	v37 =	vadd.f32 v37, v37;
	(erf) = vpow2.f32 v41;
	v51 =	vmul.f32 $1.442695020e+00, v43  }
0x1a0: {  	v39 =	vadd.f32 v39, v39;
	v53 =	vmul.f32 v32, v32;
	(erf) = vpow2.f32 v42  }
0x1a1: {  	v17 =	vsub.f32 v17, v38;
	v21 =	vadd.f32 v37, v21;
	v52 =	vpop (erf);
	(erf) = vpow2.f32 v51  }
0x1a2: {  	v19 =	vadd.f32 v39, v19;
	v34 =	vmul.f32 v52, v34  }
0x1a3: {  	v56 =	vmul.f32 $1.428571490e-01, v53;
	v17 =	vnsel vm4, $0x0, v17;
	v20 =	vsub.f32 v20, v21  }
0x1a4: {  	v11 =	vsub.f32 v11, v19;
	v54 =	vpop (erf);
	v16 =	vadd.f32 v17, v16;
	v55 =	vmul.f32 v34, v34  }
0x1a5: {  	v35 =	vmul.f32 v54, v35;
	v58 =	vadd.f32 $2.000000030e-01, v56;
	v19 =	vnsel vm1, $0x0, v20  }
0x1a6: {  	v16 =	vadd.f32 v16, v19;
	v57 =	vmul.f32 $1.428571490e-01, v55  }
0x1a7: {  	s3 =	simm.s32 $0x30;
	v11 =	vnsel vm2, $0x0, v11;
	v60 =	vmul.f32 v35, v35;
	v39 =	vmul.f32 v58, v53  }
0x1a8: {  	v16 =	vadd.f32 v16, v11;
	v11 =	vmov s3;
	v38 =	vadd.f32 $2.000000030e-01, v57;
	v59 =	vpop (erf)  }
0x1a9: {  	v47 =	vmul.f32 $1.428571490e-01, v60;
	v39 =	vadd.f32 $3.333333430e-01, v39;
	v61 =	vadd.f32 $2.000000000e+00, v59;
	v44 =	vpop (erf)  }
0x1aa: {  	v43 =	vor.u32 $0x80, v11;
	v38 =	vmul.f32 v38, v55;
	v45 =	vadd.f32 $2.000000000e+00, v44;
	v46 =	vpop (erf)  }
0x1ab: {  	v63 =	vadd.f32 $2.000000030e-01, v47;
	(erf) = vrcp.f32 v61;
	v62 =	vadd.f32 $2.000000000e+00, v46  }
0x1ac: {  	v41 =	vmul.f32 v39, v53;
	v21 =	vadd.f32 $3.333333430e-01, v38;
	(erf) = vrcp.f32 v45  }
0x1ad: {  	v17 =	vmul.f32 v63, v60;
	(erf) = vrcp.f32 v62  }
0x1ae: {  	v20 =	vmul.f32 v21, v55;
	v21 =	vmul.f32 v41, v32  }
0x1af: {  	v24 =	vmax.f32 v36, v33;
	s3 =	simm.s32 $0x8D00  }
0x1b0: {  	v19 =	vsel vm3, v33, v36;
	v33 =	vld.idx.msk [tilespmem:v43+s3+$0x0], $0xffff;
	v17 =	vadd.f32 $3.333333430e-01, v17;
	v21 =	vadd.f32 v21, v32  }
0x1b1: {  	v20 =	vmul.f32 v20, v34  }
0x1b2: {  	v17 =	vmul.f32 v17, v60;
	v21 =	vadd.f32 v21, v21  }
0x1b3: {  	v20 =	vadd.f32 v20, v34  }
0x1b4: {  	v17 =	vmul.f32 v17, v35;
	v21 =	vadd.f32 v21, v31;
	v42 =	vpop (erf)  }
0x1b5: {  	v53 =	vadd.f32 v33, v8;
	v20 =	vadd.f32 v20, v20;
	v31 =	vmul.f32 v42, v59;
	v47 =	vpop (erf)  }
0x1b6: {  	vm1 =	vgt.u32 v13, v12;
	v17 =	vadd.f32 v17, v35;
	v18 =	vsub.f32 v18, v21;
	v48 =	vpop (erf)  }
0x1b7: {  	v14 =	vadd.f32 v20, v14;
	v21 =	vmul.f32 v31, v31;
	v32 =	vmul.f32 v48, v46  }
0x1b8: {  	v55 =	vadd.f32 v33, v3;
	v17 =	vadd.f32 v17, v17;
	v49 =	vmul.f32 v47, v44  }
0x1b9: {  	v20 =	vld.idx.msk [tilespmem:v11+s3+$0x0], $0xffff;
	v22 =	vsub.f32 v22, v14;
	v14 =	vmul.f32 $1.428571490e-01, v21;
	v50 =	vmul.f32 v32, v32  }
0x1ba: {  	v45 =	vmax.f32 v30, v28;
	v18 =	vnsel vm1, $0x0, v18;
	v51 =	vmul.f32 v49, v49  }
0x1bb: {  	v17 =	vadd.f32 v17, v25;
	v14 =	vadd.f32 $2.000000030e-01, v14;
	v25 =	vmul.f32 $1.428571490e-01, v50  }
0x1bc: {  	v16 =	vadd.f32 v18, v16;
	v18 =	vsel vm0, v28, v30;
	v52 =	vmul.f32 $1.428571490e-01, v51  }
0x1bd: {  	v30 =	vadd.f32 v33, v1;
	v14 =	vmul.f32 v14, v21;
	v25 =	vadd.f32 $2.000000030e-01, v25  }
0x1be: {  	v26 =	vmax.f32 v26, v27;
	v28 =	vadd.f32 v20, v0;
	v27 =	vadd.f32 $2.000000030e-01, v52  }
0x1bf: {  	v17 =	vsub.f32 v23, v17;
	v14 =	vadd.f32 $3.333333430e-01, v14;
	v23 =	vmul.f32 v25, v50  }
0x1c0: {  	vm1 =	vgt.u32 v13, v10;
	v25 =	vmul.f32 v27, v51;
	v27 =	vsub.f32 v28, v30  }
0x1c1: {  	vm0 =	vgt.u32 v13, v9;
	v21 =	vmul.f32 v14, v21;
	v13 =	vadd.f32 $3.333333430e-01, v23  }
0x1c2: {  	v23 =	vadd.f32 $3.333333430e-01, v25;
	v25 =	vadd.f32 v20, v7;
	v14 =	vand.u32 $0x7FFFFFFF, v27  }
0x1c3: {  	v54 =	vsub.f32 $0.0e+00, v14;
	v14 =	vmul.f32 v4, v6;
	v6 =	vmul.f32 v21, v31  }
0x1c4: {  	v56 =	vadd.f32 v20, v2;
	v27 =	vmul.f32 v13, v50;
	v13 =	vmul.f32 v4, v5  }
0x1c5: {  	v5 =	vsub.f32 v25, v53;
	v4 =	vmul.f32 $1.442695020e+00, v54;
	v33 =	vadd.f32 v33, v14  }
0x1c6: {  	v6 =	vadd.f32 v6, v31;
	v57 =	vadd.f32 v20, v13  }
0x1c7: {  	v20 =	vsub.f32 v56, v55;
	v5 =	vand.u32 $0x7FFFFFFF, v5;
	(erf) = vpow2.f32 v4  }
0x1c8: {  	v4 =	vmul.f32 v23, v51;
	v5 =	vsub.f32 $0.0e+00, v5;
	v21 =	vsub.f32 v57, v33  }
0x1c9: {  	v23 =	vmul.f32 v27, v32;
	v6 =	vadd.f32 v6, v6;
	v20 =	vand.u32 $0x7FFFFFFF, v20  }
0x1ca: {  	v20 =	vsub.f32 $0.0e+00, v20;
	v5 =	vmul.f32 $1.442695020e+00, v5;
	v21 =	vand.u32 $0x7FFFFFFF, v21  }
0x1cb: {  	v27 =	vmax.f32 v28, v30;
	v4 =	vmul.f32 v4, v49;
	v21 =	vsub.f32 $0.0e+00, v21  }
0x1cc: {  	v23 =	vadd.f32 v23, v32;
	v20 =	vmul.f32 $1.442695020e+00, v20;
	(erf) = vpow2.f32 v5  }
0x1cd: {  	s5 =	simm.s32 $0x30;
	v6 =	vadd.f32 v6, v26;
	v5 =	vnsel vm1, $0x0, v17;
	v17 =	vmul.f32 $1.442695020e+00, v21  }
0x1ce: {  	v26 =	vmov s5;
	v4 =	vadd.f32 v4, v49;
	(erf) = vpow2.f32 v20  }
0x1cf: {  	v6 =	vsub.f32 v29, v6;
	v21 =	vadd.f32 v23, v23;
	(erf) = vpow2.f32 v17  }
0x1d0: {  	v5 =	vadd.f32 v16, v5;
	v16 =	vnsel vm0, $0x0, v22;
	vm0 =	vgt.u32 v15, v12  }
0x1d1: {  	v4 =	vadd.f32 v4, v4;
	v6 =	vnsel vm0, $0x0, v6;
	v17 =	vadd.f32 v21, v45;
	v20 =	vpop (erf)  }
0x1d2: {  	s4 =	simm.s32 $0x31;
	vm0 =	vgt.u32 v15, v10;
	v5 =	vadd.f32 v5, v16;
	v12 =	vadd.f32 $2.000000000e+00, v20  }
0x1d3: {  	v10 =	vmov s4;
	v4 =	vadd.f32 v4, v24;
	v16 =	vsub.f32 v18, v17  }
0x1d4: {  	v23 =	vmax.f32 v56, v55;
	v5 =	vadd.f32 v6, v5;
	(erf) = vrcp.f32 v12  }
0x1d5: {  	s30 =	simm.s32 $0x2F;
	v4 =	vsub.f32 v19, v4;
	v6 =	vnsel vm0, $0x0, v16;
	vm0 =	vgt.u32 v15, v9;
	v15 =	vpop (erf)  }
0x1d6: {  	v19 =	vmov s30;
	v9 =	vlaneseq.u32;
	v12 =	vadd.f32 $2.000000000e+00, v15  }
0x1d7: {  	v21 =	vmax.f32 v25, v53;
	v5 =	vadd.f32 v5, v6;
	vm3 =	veq.s32 v19, v9;
	v16 =	vpop (erf)  }
0x1d8: {  	v17 =	vadd.f32 $2.000000000e+00, v16;
	(erf) = vrcp.f32 v12;
	v12 =	vor.u32 $0x80, v10;
	v24 =	vpop (erf)  }
0x1d9: {  	v4 =	vnsel vm0, $0x0, v4;
	v30 =	vsel vm3, v30, v28;
	v28 =	vld.idx.msk [tilespmem:v10+s3+$0x0], $0xffff;
	v18 =	vadd.f32 $2.000000000e+00, v24  }
0x1da: {  	v6 =	vor.u32 $0x10, v9;
	vm5 =	veq.s32 v26, v9;
	(erf) = vrcp.f32 v17  }
0x1db: {  	vm2 =	veq.s32 v19, v6;
	vm15 =	veq.s32 v26, v6;
	(erf) = vrcp.f32 v18  }
0x1dc: {  	v22 =	vadd.f32 v5, v4;
	v4 =	vor.u32 $0x20, v9;
	v5 =	vor.u32 $0x30, v9  }
0x1dd: {  	vm0 =	veq.s32 v19, v4;
	vm1 =	veq.s32 v19, v5;
	v19 =	vsel vm2, v55, v56;
	v17 =	vpop (erf);
	v58 =	vld.idx.msk [tilespmem:v12+s3+$0x0], $0xffff  }
0x1de: {  	vm3 =	veq.s32 v26, v4;
	v60 =	vadd.f32 v28, v0;
	v29 =	vmul.f32 v17, v20  }
0x1df: {  	vm2 =	veq.s32 v26, v5;
	v48 =	vadd.f32 v28, v13;
	v50 =	vadd.f32 v28, v2  }
0x1e0: {  	s31 =	simm.s32 $0x31;
	v18 =	vmax.f32 v57, v33;
	v20 =	vsel vm0, v53, v25;
	v25 =	vmul.f32 v29, v29  }
0x1e1: {  	v12 =	vmov s31;
	v17 =	vsel vm1, v33, v57;
	vm1 =	vgt.u32 v11, v9  }
0x1e2: {  	v59 =	vpop (erf);
	v31 =	vmul.f32 $1.428571490e-01, v25;
	v61 =	vadd.f32 v58, v1;
	v62 =	vadd.f32 v58, v3  }
0x1e3: {  	v35 =	vmul.f32 v59, v15;
	v51 =	vadd.f32 v58, v8;
	v52 =	vadd.f32 v58, v14;
	v26 =	vpop (erf)  }
0x1e4: {  	v15 =	vadd.f32 $2.000000030e-01, v31;
	v37 =	vmul.f32 v26, v16;
	v26 =	vsub.f32 v60, v61;
	v16 =	vpop (erf)  }
0x1e5: {  	v63 =	vmul.f32 v35, v35;
	v31 =	vmul.f32 v16, v24;
	v24 =	vadd.f32 v28, v7  }
0x1e6: {  	v15 =	vmul.f32 v15, v25;
	v49 =	vmul.f32 v37, v37;
	v16 =	vand.u32 $0x7FFFFFFF, v26  }
0x1e7: {  	v28 =	vsub.f32 v50, v62;
	v53 =	vmul.f32 $1.428571490e-01, v63;
	v16 =	vsub.f32 $0.0e+00, v16  }
0x1e8: {  	v15 =	vadd.f32 $3.333333430e-01, v15;
	v26 =	vmul.f32 $1.428571490e-01, v49;
	v54 =	vsub.f32 v24, v51  }
0x1e9: {  	v55 =	vmul.f32 v31, v31;
	v32 =	vadd.f32 $2.000000030e-01, v53;
	v16 =	vmul.f32 $1.442695020e+00, v16  }
0x1ea: {  	v25 =	vmul.f32 v15, v25;
	v15 =	vand.u32 $0x7FFFFFFF, v28;
	v28 =	vsub.f32 v48, v52  }
0x1eb: {  	v44 =	vand.u32 $0x7FFFFFFF, v54;
	v26 =	vadd.f32 $2.000000030e-01, v26;
	(erf) = vpow2.f32 v16  }
0x1ec: {  	v57 =	vmul.f32 $1.428571490e-01, v55;
	v32 =	vmul.f32 v32, v63;
	v16 =	vsub.f32 $0.0e+00, v44  }
0x1ed: {  	v15 =	vsub.f32 $0.0e+00, v15;
	v28 =	vand.u32 $0x7FFFFFFF, v28;
	v58 =	vmul.f32 v26, v49  }
0x1ee: {  	v46 =	vadd.f32 $2.000000030e-01, v57;
	v25 =	vmul.f32 v25, v29;
	v16 =	vmul.f32 $1.442695020e+00, v16  }
0x1ef: {  	v32 =	vadd.f32 $3.333333430e-01, v32;
	v56 =	vmul.f32 $1.442695020e+00, v15;
	v28 =	vsub.f32 $0.0e+00, v28  }
0x1f0: {  	v15 =	vmax.f32 v60, v61;
	v59 =	vadd.f32 $3.333333430e-01, v58;
	(erf) = vpow2.f32 v16  }
0x1f1: {  	v25 =	vadd.f32 v25, v29;
	v32 =	vmul.f32 v32, v63;
	v28 =	vmul.f32 $1.442695020e+00, v28  }
0x1f2: {  	v16 =	vsel vm5, v61, v60;
	v60 =	vmul.f32 v46, v55;
	(erf) = vpow2.f32 v56  }
0x1f3: {  	vm0 =	vgt.u32 v11, v6;
	v29 =	vmul.f32 v59, v49;
	(erf) = vpow2.f32 v28  }
0x1f4: {  	v26 =	vmax.f32 v50, v62;
	v25 =	vadd.f32 v25, v25;
	v32 =	vmul.f32 v32, v35;
	v33 =	vpop (erf)  }
0x1f5: {  	v34 =	vadd.f32 $3.333333430e-01, v60;
	v40 =	vmul.f32 v29, v37;
	v61 =	vadd.f32 $2.000000000e+00, v33  }
0x1f6: {  	v28 =	vmax.f32 v24, v51;
	v29 =	vsel vm15, v62, v50;
	v62 =	vadd.f32 v25, v27  }
0x1f7: {  	v34 =	vmul.f32 v34, v55;
	v37 =	vadd.f32 v40, v37;
	(erf) = vrcp.f32 v61  }
0x1f8: {  	v25 =	vmax.f32 v48, v52;
	v63 =	vadd.f32 v32, v35;
	v27 =	vsel vm3, v51, v24  }
0x1f9: {  	v36 =	vmul.f32 v34, v31;
	v34 =	vsub.f32 v30, v62;
	v38 =	vadd.f32 v37, v37;
	v32 =	vpop (erf)  }
0x1fa: {  	s5 =	simm.s32 $0x32;
	s4 =	simm.s32 $0x33;
	v24 =	vsel vm2, v52, v48;
	v37 =	vadd.f32 v63, v63;
	v35 =	vadd.f32 $2.000000000e+00, v32  }
.LBB2_9:
0x1fb: {  	p0 =	sne.s32 s4, $0x3F;
	v30 =	vmov s5;
	v39 =	vpop (erf);
	v38 =	vadd.f32 v38, v23;
	v31 =	vadd.f32 v36, v31;
	s5 =	smov.u32 s4;
	s4 =	sadd.s32 $0x1, s4  }
0x1fc: {  	s6 =	sadd.s32 $0xFFFFFFFF, s5;
	v36 =	vor.u32 $0x80, v30;
	v40 =	vadd.f32 $2.000000000e+00, v39;
	(erf) = vrcp.f32 v35;
	v35 =	vpop (erf)  }
0x1fd: {  	v23 =	vmovc v26;
	v37 =	vadd.f32 v37, v21;
	v21 =	vmovc v28;
	v41 =	vmov s6;
	v42 =	vadd.f32 $2.000000000e+00, v35  }
0x1fe: {  	v26 =	vnsel vm1, $0x0, v34;
	v28 =	vsub.f32 v19, v38;
	v19 =	vmovc v29;
	(erf) = vrcp.f32 v40  }
0x1ff: {  	v22 =	vadd.f32 v26, v22;
	v26 =	vadd.f32 v31, v31;
	(erf) = vrcp.f32 v42  }
0x200: {  	vm5 =	vgt.u32 v11, v5;
	v20 =	vsub.f32 v20, v37;
	v28 =	vnsel vm0, $0x0, v28;
	v29 =	vld.idx.msk [tilespmem:v30+s3+$0x0], $0xffff;
	v31 =	vpop (erf)  }
0x201: {  	v22 =	vadd.f32 v22, v28;
	v28 =	vadd.f32 v26, v18;
	v34 =	vld.idx.msk [tilespmem:v36+s3+$0x0], $0xffff;
	v33 =	vmul.f32 v31, v33  }
0x202: {  	vm1 =	vgt.u32 v10, v9;
	vm2 =	vgt.u32 v11, v4;
	v11 =	vmovc v10;
	vm0 =	vgt.u32 v10, v6  }
0x203: {  	v10 =	vmovc v30;
	v18 =	vmovc v25;
	v31 =	vnsel vm2, $0x0, v20;
	v36 =	vsub.f32 v17, v28;
	v26 =	vmul.f32 v33, v33  }
0x204: {  	vm3 =	veq.s32 v12, v4;
	vm2 =	veq.s32 v12, v5;
	v22 =	vadd.f32 v22, v31;
	v20 =	vmovc v27  }
0x205: {  	vm4 =	veq.s32 v12, v6;
	v30 =	vnsel vm5, $0x0, v36;
	v25 =	vmul.f32 $1.428571490e-01, v26;
	v27 =	vpop (erf)  }
0x206: {  	v17 =	vmovc v24;
	v28 =	vadd.f32 v29, v0;
	v22 =	vadd.f32 v22, v30;
	v27 =	vmul.f32 v27, v32  }
0x207: {  	vm5 =	veq.s32 v12, v9;
	v24 =	vadd.f32 v34, v1;
	v25 =	vadd.f32 $2.000000030e-01, v25;
	v12 =	vpop (erf)  }
0x208: {  	v30 =	vadd.f32 v34, v3;
	v32 =	vmul.f32 v12, v39;
	v36 =	vmul.f32 v27, v27;
	v12 =	vpop (erf)  }
0x209: {  	v37 =	vsub.f32 v28, v24;
	v39 =	vadd.f32 v29, v13;
	v31 =	vmul.f32 v12, v35;
	v12 =	vmovc v41  }
0x20a: {  	v35 =	vadd.f32 v29, v7;
	v25 =	vmul.f32 v25, v26;
	v38 =	vmul.f32 v32, v32  }
0x20b: {  	v40 =	vadd.f32 v34, v8;
	v29 =	vadd.f32 v29, v2;
	v37 =	vand.u32 $0x7FFFFFFF, v37  }
0x20c: {  	v37 =	vsub.f32 $0.0e+00, v37;
	v25 =	vadd.f32 $3.333333430e-01, v25;
	v41 =	vmul.f32 $1.428571490e-01, v38  }
0x20d: {  	v43 =	vadd.f32 v34, v14;
	v34 =	vmul.f32 $1.428571490e-01, v36;
	v42 =	vsub.f32 v29, v30  }
0x20e: {  	v44 =	vsub.f32 v35, v40;
	v37 =	vmul.f32 $1.442695020e+00, v37;
	v25 =	vmul.f32 v25, v26  }
0x20f: {  	v45 =	vmul.f32 v31, v31;
	v26 =	vand.u32 $0x7FFFFFFF, v42;
	v42 =	vsub.f32 v39, v43  }
0x210: {  	v44 =	vand.u32 $0x7FFFFFFF, v44;
	v26 =	vsub.f32 $0.0e+00, v26;
	(erf) = vpow2.f32 v37  }
0x211: {  	v41 =	vadd.f32 $2.000000030e-01, v41;
	v42 =	vand.u32 $0x7FFFFFFF, v42;
	v37 =	vsub.f32 $0.0e+00, v44  }
0x212: {  	v44 =	vmul.f32 $1.442695020e+00, v26;
	v26 =	vsub.f32 $0.0e+00, v42;
	v42 =	vmul.f32 $1.428571490e-01, v45  }
0x213: {  	v46 =	vmax.f32 v28, v24;
	v34 =	vadd.f32 $2.000000030e-01, v34;
	v37 =	vmul.f32 $1.442695020e+00, v37  }
0x214: {  	v41 =	vmul.f32 v41, v38;
	v47 =	vmul.f32 $1.442695020e+00, v26;
	v42 =	vadd.f32 $2.000000030e-01, v42  }
0x215: {  	v34 =	vmul.f32 v34, v36;
	v26 =	vmax.f32 v29, v30;
	(erf) = vpow2.f32 v37  }
0x216: {  	v48 =	vsel vm5, v24, v28;
	v24 =	vmul.f32 v25, v33;
	v25 =	vadd.f32 $3.333333430e-01, v41  }
0x217: {  	v34 =	vadd.f32 $3.333333430e-01, v34;
	v37 =	vmul.f32 v42, v45;
	(erf) = vpow2.f32 v44  }
0x218: {  	v24 =	vadd.f32 v24, v33;
	v25 =	vmul.f32 v25, v38;
	(erf) = vpow2.f32 v47  }
0x219: {  	v28 =	vmax.f32 v35, v40;
	v34 =	vmul.f32 v34, v36;
	v36 =	vadd.f32 $3.333333430e-01, v37;
	v33 =	vpop (erf)  }
0x21a: {  	v24 =	vadd.f32 v24, v24;
	v25 =	vmul.f32 v25, v32;
	v37 =	vadd.f32 $2.000000000e+00, v33  }
.Ltmp4:
0x21b: {  	v29 =	vsel vm4, v30, v29;
	v30 =	vmul.f32 v34, v27;
	v34 =	vmul.f32 v36, v45;
	(pc) =	sbr.rel @p0 .LBB2_9-.Ltmp4, $4  }
0x21c: {  	v24 =	vadd.f32 v24, v15;
	v15 =	vmovc v46;
	(erf) = vrcp.f32 v37;
	v37 =	vadd.f32 v25, v32  }
0x21d: {  	v30 =	vadd.f32 v30, v27;
	v36 =	vmul.f32 v34, v31;
	v25 =	vmax.f32 v39, v43  }
0x21e: {  	v27 =	vsel vm3, v40, v35;
	v34 =	vsub.f32 v16, v24;
	v32 =	vpop (erf);
	v38 =	vadd.f32 v37, v37  }
0x21f: {  	v24 =	vsel vm2, v43, v39;
	v16 =	vmovc v48;
	v37 =	vadd.f32 v30, v30;
	v35 =	vadd.f32 $2.000000000e+00, v32  }
0x220: {  	v30 =	vmov s5  }
0x221: {  	v39 =	vor.u32 $0x80, v30;
	_ =	sdelay $0x3  }
0x222: {  	v40 =	vld.idx.msk [tilespmem:v30+s3+$0x0], $0xffff  }
0x223: {  	v23 =	vadd.f32 v38, v23;
	v38 =	vpop (erf);
	v39 =	vld.idx.msk [tilespmem:v39+s3+$0x0], $0xffff  }
0x224: {  	v31 =	vadd.f32 v36, v31;
	v48 =	vnsel vm1, $0x0, v34;
	v45 =	vadd.f32 $2.000000000e+00, v38  }
0x225: {  	v21 =	vadd.f32 v37, v21;
	v46 =	vpop (erf);
	v22 =	vadd.f32 v48, v22  }
0x226: {  	(erf) = vrcp.f32 v35;
	v19 =	vsub.f32 v19, v23;
	v47 =	vadd.f32 $2.000000000e+00, v46  }
0x227: {  	v20 =	vsub.f32 v20, v21;
	v41 =	vadd.f32 v40, v0  }
0x228: {  	vm14 =	vgt.u32 v11, v4;
	v0 =	vadd.f32 v40, v7;
	v42 =	vadd.f32 v39, v1  }
0x229: {  	(erf) = vrcp.f32 v45;
	v1 =	vadd.f32 v39, v8;
	v7 =	vadd.f32 v39, v3  }
0x22a: {  	v19 =	vnsel vm0, $0x0, v19;
	v8 =	vadd.f32 v40, v2;
	v49 =	vsub.f32 v41, v42  }
0x22b: {  	(erf) = vrcp.f32 v47;
	v19 =	vadd.f32 v22, v19;
	v51 =	vsub.f32 v0, v1  }
0x22c: {  	v2 =	vadd.f32 v40, v13;
	v53 =	vsub.f32 v8, v7;
	v50 =	vand.u32 $0x7FFFFFFF, v49  }
0x22d: {  	v3 =	vadd.f32 v39, v14;
	v54 =	vand.u32 $0x7FFFFFFF, v51;
	v52 =	vsub.f32 $0.0e+00, v50  }
0x22e: {  	v58 =	vpop (erf);
	v20 =	vnsel vm14, $0x0, v20;
	v56 =	vand.u32 $0x7FFFFFFF, v53;
	v13 =	vsub.f32 $0.0e+00, v54  }
0x22f: {  	v34 =	vpop (erf);
	v59 =	vsub.f32 v2, v3;
	v57 =	vsub.f32 $0.0e+00, v56;
	v55 =	vmul.f32 $1.442695020e+00, v52  }
0x230: {  	v19 =	vadd.f32 v19, v20;
	v20 =	vmul.f32 v34, v32;
	v13 =	vmul.f32 $1.442695020e+00, v13  }
0x231: {  	v60 =	vand.u32 $0x7FFFFFFF, v59;
	v21 =	vmul.f32 $1.442695020e+00, v57;
	(erf) = vpow2.f32 v55  }
0x232: {  	v31 =	vadd.f32 v31, v31;
	v62 =	vsub.f32 $0.0e+00, v60;
	(erf) = vpow2.f32 v13  }
0x233: {  	v44 =	vmul.f32 v20, v20;
	(erf) = vpow2.f32 v21  }
0x234: {  	v61 =	vadd.f32 v31, v18;
	v14 =	vmul.f32 v58, v33;
	v18 =	vmul.f32 $1.442695020e+00, v62  }
0x235: {  	v51 =	vmul.f32 $1.428571490e-01, v44  }
0x236: {  	vm5 =	vgt.u32 v11, v5;
	v63 =	vmul.f32 v14, v14;
	(erf) = vpow2.f32 v18  }
0x237: {  	vm3 =	vgt.u32 v10, v9;
	vm15 =	veq.s32 v12, v4;
	v54 =	vadd.f32 $2.000000030e-01, v51  }
0x238: {  	vm8 =	veq.s32 v12, v5;
	vm4 =	veq.s32 v12, v6;
	v36 =	vpop (erf);
	v35 =	vmul.f32 $1.428571490e-01, v63  }
0x239: {  	vm9 =	veq.s32 v12, v9;
	v22 =	vmul.f32 v36, v38;
	v39 =	vpop (erf);
	v12 =	vmul.f32 v54, v44  }
0x23a: {  	vm2 =	vgt.u32 v10, v6;
	v13 =	vsub.f32 v17, v61;
	v17 =	vadd.f32 $2.000000030e-01, v35;
	v43 =	vpop (erf)  }
0x23b: {  	v40 =	vmul.f32 v22, v22;
	v12 =	vadd.f32 $3.333333430e-01, v12;
	v45 =	vadd.f32 $2.000000000e+00, v43;
	v47 =	vpop (erf)  }
0x23c: {  	v18 =	vmul.f32 v39, v46;
	v17 =	vmul.f32 v17, v63;
	v49 =	vadd.f32 $2.000000000e+00, v47;
	v50 =	vpop (erf)  }
0x23d: {  	v46 =	vmul.f32 $1.428571490e-01, v40;
	(erf) = vrcp.f32 v45;
	v52 =	vadd.f32 $2.000000000e+00, v50  }
0x23e: {  	v13 =	vnsel vm5, $0x0, v13;
	v48 =	vmul.f32 v18, v18;
	(erf) = vrcp.f32 v49  }
0x23f: {  	v12 =	vmul.f32 v12, v44;
	v13 =	vadd.f32 v19, v13;
	v57 =	vpop (erf);
	(erf) = vrcp.f32 v52  }
0x240: {  	v19 =	vadd.f32 $2.000000030e-01, v46;
	v53 =	vmul.f32 $1.428571490e-01, v48;
	v58 =	vadd.f32 $2.000000000e+00, v57  }
0x241: {  	vm10 =	vgt.u32 v10, v4;
	v17 =	vadd.f32 $3.333333430e-01, v17;
	v31 =	vmul.f32 v12, v20  }
0x242: {  	v55 =	vmul.f32 v19, v40;
	v56 =	vadd.f32 $2.000000030e-01, v53;
	(erf) = vrcp.f32 v58  }
0x243: {  	v60 =	vmax.f32 v8, v7;
	v7 =	vsel vm4, v7, v8;
	v11 =	vmul.f32 v17, v63  }
0x244: {  	v8 =	vadd.f32 v31, v20;
	v17 =	vadd.f32 $3.333333430e-01, v55;
	v19 =	vmul.f32 v56, v48  }
0x245: {  	vm11 =	vgt.u32 v10, v5;
	v36 =	vsel vm9, v42, v41;
	v11 =	vmul.f32 v11, v14  }
0x246: {  	v8 =	vadd.f32 v8, v8;
	v61 =	vmul.f32 v17, v40;
	v19 =	vadd.f32 $3.333333430e-01, v19;
	v63 =	vpop (erf)  }
0x247: {  	v59 =	vmax.f32 v41, v42;
	v11 =	vadd.f32 v11, v14;
	v21 =	vmul.f32 v63, v43;
	v39 =	vpop (erf)  }
0x248: {  	v8 =	vadd.f32 v8, v28;
	v14 =	vmul.f32 v61, v22;
	v34 =	vmul.f32 v19, v48;
	v41 =	vpop (erf)  }
0x249: {  	v11 =	vadd.f32 v11, v11;
	v40 =	vmul.f32 v21, v21;
	v42 =	vmul.f32 v41, v50  }
0x24a: {  	v8 =	vsub.f32 v27, v8;
	v12 =	vmul.f32 v34, v18;
	v19 =	vmul.f32 v39, v47  }
0x24b: {  	v14 =	vadd.f32 v14, v22;
	v46 =	vpop (erf);
	v43 =	vmul.f32 $1.428571490e-01, v40;
	v44 =	vmul.f32 v42, v42  }
0x24c: {  	v11 =	vadd.f32 v11, v15;
	v45 =	vmul.f32 v19, v19;
	v47 =	vmul.f32 v46, v57  }
0x24d: {  	v14 =	vadd.f32 v14, v14;
	v22 =	vadd.f32 $2.000000030e-01, v43;
	v48 =	vmul.f32 $1.428571490e-01, v44  }
0x24e: {  	v11 =	vsub.f32 v16, v11;
	v49 =	vmul.f32 $1.428571490e-01, v45;
	v50 =	vmul.f32 v47, v47  }
0x24f: {  	v14 =	vadd.f32 v14, v26;
	v22 =	vmul.f32 v22, v40;
	v26 =	vadd.f32 $2.000000030e-01, v48  }
0x250: {  	v12 =	vadd.f32 v12, v18;
	v28 =	vadd.f32 $2.000000030e-01, v49;
	v51 =	vmul.f32 $1.428571490e-01, v50  }
0x251: {  	v11 =	vnsel vm3, $0x0, v11;
	v22 =	vadd.f32 $3.333333430e-01, v22;
	v26 =	vmul.f32 v26, v44  }
0x252: {  	v11 =	vadd.f32 v11, v13;
	v52 =	vmul.f32 v28, v45;
	v13 =	vadd.f32 $2.000000030e-01, v51  }
0x253: {  	v14 =	vsub.f32 v29, v14;
	v15 =	vmul.f32 v22, v40;
	v26 =	vadd.f32 $3.333333430e-01, v26  }
0x254: {  	v12 =	vadd.f32 v12, v12;
	v13 =	vmul.f32 v13, v50;
	v22 =	vadd.f32 $3.333333430e-01, v52  }
0x255: {  	v14 =	vnsel vm2, $0x0, v14;
	v15 =	vmul.f32 v15, v21;
	v16 =	vmul.f32 v26, v44  }
0x256: {  	v12 =	vadd.f32 v12, v25;
	v13 =	vadd.f32 $3.333333430e-01, v13;
	v55 =	vmul.f32 v22, v45  }
0x257: {  	v11 =	vadd.f32 v11, v14;
	v54 =	vadd.f32 v15, v21;
	v16 =	vmul.f32 v16, v42  }
0x258: {  	v12 =	vsub.f32 v24, v12;
	v13 =	vmul.f32 v13, v50;
	v15 =	vmul.f32 v55, v19  }
0x259: {  	v8 =	vnsel vm10, $0x0, v8;
	v14 =	vadd.f32 v54, v54;
	v16 =	vadd.f32 v16, v42  }
0x25a: {  	v8 =	vadd.f32 v11, v8;
	v56 =	vmul.f32 v13, v47;
	v15 =	vadd.f32 v15, v19  }
0x25b: {  	vm12 =	vgt.u32 v30, v9;
	v14 =	vadd.f32 v14, v59;
	v57 =	vadd.f32 v16, v16  }
0x25c: {  	vm13 =	vgt.u32 v30, v6;
	v11 =	vadd.f32 v56, v47;
	v59 =	vadd.f32 v15, v15  }
0x25d: {  	v12 =	vnsel vm11, $0x0, v12;
	v58 =	vsub.f32 v36, v14;
	v13 =	vadd.f32 v57, v60  }
0x25e: {  	v62 =	vmax.f32 v0, v1;
	v8 =	vadd.f32 v8, v12;
	v11 =	vadd.f32 v11, v11  }
0x25f: {  	v60 =	vadd.f32 v59, v62;
	v10 =	vnsel vm12, $0x0, v58;
	v7 =	vsub.f32 v7, v13  }
0x260: {  	v0 =	vsel vm15, v1, v0;
	v53 =	vmax.f32 v2, v3;
	v61 =	vadd.f32 v10, v8  }
0x261: {  	v62 =	vadd.f32 v11, v53;
	v0 =	vsub.f32 v0, v60;
	v6 =	vnsel vm13, $0x0, v7  }
0x262: {  	vm14 =	vgt.u32 v30, v4;
	v2 =	vsel vm8, v3, v2;
	v1 =	vadd.f32 v61, v6  }
0x263: {  	v2 =	vsub.f32 v2, v62;
	v0 =	vnsel vm14, $0x0, v0  }
0x264: {  	vm15 =	vgt.u32 v30, v5;
	v0 =	vadd.f32 v1, v0  }
0x265: {  	s30 =	simm.s32 $0x0;
	v63 =	vnsel vm15, $0x0, v2  }
0x266: {  	[smem:$0x0] =	sst s30;
	v0 =	vadd.f32 v0, v63  }
0x267: {  	[bflag:$0x0] =	sbarrier.arrive $0xFFFF  }
0x268: {  	(xrf2) =	vadd.scan.msk.f32 $0xffff, v0;
	_ =	sdelay $0x9  }
0x269: {  	v0, _, _ =	vpop (xrf2)  }
0x26a: {  	(v2sf) =	vpush v0, $0xF;
	_ =	sdelay $0xe  }
0x26b: {  	s4 =	spop (v2sf)  }
0x26c: {  	s4 =	smul.f32 $2.560000000e+02, s4;
	_ =	sdelay $0x1  }
0x26d: {  	s31 =	simm.s32 $0x2;
	s4 =	scvt.f32.s32 s4  }
0x26e: {  	[sflag:s31] =	ssyncset.done $0x0  }
0x26f: {  	[smem:s30], [sflag:$0x2] =	smem.add.s32 s4  }
0x270: {  	_ =	swait.done [sflag:s31]  }
0x271: {  	[sflag:s31] =	ssyncset.s32 $0x0  }
0x272: {  	[sflag:s31] =	ssyncset.done $0x0  }
0x273: {  	p0 =	sne.s32 s2, $0x0;
	[bflag:$0x0] =	sbarrier.arrive $0xFFFF  }
0x274: {  	_ =	sfence.sel @p0 $0x180000  }
0x275: {  	[bflag:$0x0] =	sbarrier.arrive @p0 $0xFFFF  }
0x276: {  	_ =	strace @p0 $0x90000047  }
0x277: {  	[bflag:$0x2] =	sbarrier.arrive @p0 $0xFFFF  }
0x278: {  	s2 =	sld @!p0 [smem:$0x0];
	_ =	sdelay $0x2  }
0x279: {  	s2 =	scvt.s32.f32 @!p0 s2;
	_ =	sdelay $0x1  }
0x27a: {  	s2 =	smul.f32 @!p0 $-1.211015070e-07, s2;
	_ =	sdelay $0x1  }
0x27b: {  	v0 =	vmov @!p0 s2  }
0x27c: {  	s3 =	simm.s32 @!p0 $0x8E00;
	s2 =	simm.s32 @!p0 $0x0;
	[tilespmem:$0x8E00] =	vst @!p0 v0  }
0x27d: {  	[hbm4b:s1+s2] =	stream.linear.scatter @!p0 [tilespmem:s3], [sflag:$0x3], $0x80, $0x38;
	[tilespmem:$0x8E80] =	vst v63  }
0x27e: {  	s1 =	simm.s32 @!p0 $0x3  }
0x27f: {  	_ =	swait.ge @!p0 [sflag:s1], $0x80  }
0x280: {  	[sflag:s1] =	ssyncset.done @!p0 $0x0  }
0x281: {  	[sflag:s1] =	ssyncadd.s32 @!p0 $0xFFFFFF80  }
0x282: {  	_ =	sfence.sel @!p0 $0x180000  }
0x283: {  	[bflag:$0x0] =	sbarrier.arrive @!p0 $0xFFFF  }
0x284: {  	_ =	strace @!p0 $0x90000047  }
0x285: {  	s0 =	sadd.s32 @!p0 $0x100000, s0;
	[bflag:$0x2] =	sbarrier.arrive @!p0 $0xFFFF  }
0x286: {  	[sflag:s0] =	ssyncadd.tile.s32 @!p0 $0x1;
	_ =	shalt  }
.Lfunc_end2:
_tile_overlayer_lowered:
.L_overlay_start_2:
0x287: {  	(tag) =	ssettag $0x2  }
0x288: {  	s0 =	rddreg [dreg:$0x0];
	s2 =	stileid.u32  }
0x289: {  	s1 =	rddreg [dreg:$0x1];
	p0 =	sne.s32 s2, $0x0  }
0x28a: {  	s3 =	rddreg [dreg:$0x2];
	[bflag:$0x3] =	sbarrier.arrive $0xFFFF;
	s2 =	simm.s32 @!p0 $0x1C02  }
0x28b: {  	[timem:s3], [sflag:s2] =	dma.local @!p0 [hbm:s0], s1  }
0x28c: {  	s0 =	simm.s32 @!p0 $0x2  }
0x28d: {  	_ =	swait.ge @!p0 [sflag:s0], s1  }
0x28e: {  	s1 =	ssub.s32 @!p0 $0x0, s1;
	[sflag:s0] =	ssyncset.done @!p0 $0x0  }
0x28f: {  	[sflag:s0] =	ssyncadd.s32 @!p0 s1  }
0x290: {  	[bflag:$0x3] =	sbarrier.arrive $0xFFFF  }
0x291: {  	_ =	shalt  }

</sc_bundles>
